<compile_context>
chip_gen: v7x
topology: tpu7x:2x2x1
jax: 0.10.2.dev20260603
libtpu: 0.0.44.dev20260713+nightly
codegen_flags: <defaults>
</compile_context>

<pallas_src>
import functools

import numpy as np
import jax
import jax.numpy as jnp
from jax import lax
from jax.experimental import pallas as pl
from jax.experimental.pallas import tpu as pltpu
from jax.experimental.pallas import tpu_sc as plsc


def _sc_geometry():
    try:
        info = plsc.get_sparse_core_info()
        return info.num_cores, info.num_subcores
    except Exception:
        return 2, 16


GROUP = 8


@functools.lru_cache(maxsize=None)
def _make_gather(F, V, D, B, CH, NC, NS):
    NW = NC * NS
    NROW = B * F // CH
    assert NROW % (NW * GROUP) == 0 and CH <= 128
    rows_pw = NROW // NW
    groups = rows_pw // GROUP
    mesh = plsc.VectorSubcoreMesh(core_axis_name="c", subcore_axis_name="s")

    def body(tab_hbm, idx_hbm, out_hbm, idx_v, buf, sem):
        wid = lax.axis_index("s") * NC + lax.axis_index("c")
        r0 = wid * rows_pw
        pltpu.sync_copy(idx_hbm.at[pl.ds(r0, rows_pw)], idx_v)

        @pl.loop(0, groups)
        def _group(g):
            cps = []
            for u in range(GROUP):
                cps.append(pltpu.async_copy(
                    tab_hbm.at[idx_v.at[g * GROUP + u]],
                    buf.at[pl.ds(u * CH, CH)], sem))
            for c in cps:
                c.wait()
            out_r = (r0 + g * GROUP) * CH
            pltpu.sync_copy(buf, out_hbm.at[pl.ds(out_r, GROUP * CH)])

    return pl.kernel(
        body,
        out_type=jax.ShapeDtypeStruct((B * F, D), jnp.float32),
        mesh=mesh,
        compiler_params=pltpu.CompilerParams(use_tc_tiling_on_sc=False),
        scratch_types=[
            pltpu.VMEM((rows_pw, CH), jnp.int32),
            pltpu.VMEM((GROUP * CH, D), jnp.float32),
            pltpu.SemaphoreType.DMA,
        ],
    )


@functools.lru_cache(maxsize=None)
def _make_repack(F, V, D, VP, NC, NS):
    NW = NC * NS
    VC = 3200
    TAIL = V - (V // VC) * VC
    CPF = V // VC + 1
    total = F * CPF
    assert total % NW == 0
    cpw = total // NW
    mesh = plsc.VectorSubcoreMesh(core_axis_name="c", subcore_axis_name="s")

    def shuffle(inb, outb, n, iota_vc):
        @functools.partial(plsc.parallel_loop, 0, n, unroll=8)
        def _row(v):
            outb[v] = plsc.load_gather(inb, [iota_vc + v])

    def body(tab_hbm, out_hbm, inb, outb, sem):
        wid = lax.axis_index("s") * NC + lax.axis_index("c")
        iota_vc = lax.iota(jnp.int32, 16) * VC

        @pl.loop(0, cpw)
        def _chunk(j):
            c = wid * cpw + j
            f = c // CPF
            k = c % CPF
            is_tail = k == (CPF - 1)
            v0 = jnp.where(is_tail, (CPF - 1) * VC, k * VC)

            @pl.when(jnp.logical_not(is_tail))
            def _full():
                cps = [pltpu.async_copy(
                    tab_hbm.at[f, d, pl.ds(v0, VC)],
                    inb.at[pl.ds(d * VC, VC)], sem) for d in range(D)]
                for cp in cps:
                    cp.wait()
                shuffle(inb, outb, VC, iota_vc)
                pltpu.sync_copy(outb, out_hbm.at[f, pl.ds(v0, VC)])

            @pl.when(is_tail)
            def _tail():
                cps = [pltpu.async_copy(
                    tab_hbm.at[f, d, pl.ds(v0, TAIL)],
                    inb.at[pl.ds(d * VC, TAIL)], sem) for d in range(D)]
                for cp in cps:
                    cp.wait()
                shuffle(inb, outb, TAIL, iota_vc)
                pltpu.sync_copy(outb.at[pl.ds(0, TAIL)],
                                out_hbm.at[f, pl.ds(v0, TAIL)])

    return pl.kernel(
        body,
        out_type=jax.ShapeDtypeStruct((F, V, D), jnp.float32),
        mesh=mesh,
        compiler_params=pltpu.CompilerParams(use_tc_tiling_on_sc=False),
        scratch_types=[
            pltpu.VMEM((D * VC,), jnp.float32),
            pltpu.VMEM((VC, D), jnp.float32),
            pltpu.SemaphoreType.DMA,
        ],
    )


def _mlp_body(x_ref, c_ref, w1a, w1b, b1, w2, b2, w3, b3, wf, bf, sp, o_ref):
    x = x_ref[...]
    f32 = jnp.float32
    s = jnp.dot(x, sp[...], preferred_element_type=f32)
    fm = 0.5 * (jnp.sum(s * s, axis=1) - jnp.sum(x * x, axis=1))
    h = jnp.dot(x, w1a[...], preferred_element_type=f32)
    h = h + jnp.dot(c_ref[...], w1b[...], preferred_element_type=f32)
    h = jnp.maximum(h + b1[...], 0.0)
    h = jnp.maximum(jnp.dot(h, w2[...], preferred_element_type=f32) + b2[...], 0.0)
    h = jnp.maximum(jnp.dot(h, w3[...], preferred_element_type=f32) + b3[...], 0.0)
    deep = jnp.sum(h * wf[...], axis=1) + bf[0, 0]
    z = fm + deep
    o_ref[...] = 1.0 / (1.0 + jnp.exp(-z))


@functools.lru_cache(maxsize=None)
def _make_mlp(B, E, C, H1, H2, H3, Bb, interpret=False):
    grid = (B // Bb,)
    full = lambda r, c: pl.BlockSpec((r, c), lambda i: (0, 0))
    return pl.pallas_call(
        _mlp_body,
        grid=grid,
        in_specs=[
            pl.BlockSpec((Bb, E), lambda i: (i, 0)),
            pl.BlockSpec((Bb, C), lambda i: (i, 0)),
            full(E, H1), full(C, H1), full(1, H1),
            full(H1, H2), full(1, H2),
            full(H2, H3), full(1, H3),
            full(1, H3), full(1, 1),
            full(E, 128),
        ],
        out_specs=pl.BlockSpec((Bb,), lambda i: (i,)),
        out_shape=jax.ShapeDtypeStruct((B,), jnp.float32),
        compiler_params=pltpu.CompilerParams(
            dimension_semantics=("arbitrary",)),
        interpret=interpret,
    )


def kernel(cat_idx, cont, tables, W1, b1, W2, b2, W3, b3, Wf, bf):
    B, F = cat_idx.shape
    _, V, D = tables.shape
    C = cont.shape[1]
    E = F * D
    H1, H2, H3 = W1.shape[1], W2.shape[1], W3.shape[1]

    CH = 128
    tabT = jnp.transpose(tables, (0, 2, 1))
    NC, NS = _sc_geometry()
    tab = _make_repack(F, V, D, V, NC, NS)(tabT).reshape(F * V, D)
    offs = (jnp.arange(F, dtype=jnp.int32) * V)[None, :]
    fidx = (cat_idx.astype(jnp.int32) + offs).reshape(-1, CH)
    embf = _make_gather(F, V, D, B, CH, NC, NS)(tab, fidx).reshape(B, E)

    sp = np.zeros((E, 128), np.float32)
    for d in range(D):
        sp[np.arange(F) * D + d, d] = 1.0
    sp = jnp.asarray(sp)

    out = _make_mlp(B, E, C, H1, H2, H3, 512)(
        embf, cont,
        W1[:E], W1[E:], b1.reshape(1, H1),
        W2, b2.reshape(1, H2),
        W3, b3.reshape(1, H3),
        Wf.reshape(1, H3), bf.reshape(1, 1),
        sp)
    return out.reshape(B, 1)

# --- scband reference (transcript-rebuilt; emitter-appended) ---
"""Pipeline reference for scband-deep-fm-67843303408163 (READ-ONLY COPY).

The authoritative reference and input builder live on the scoring server;
editing this copy changes nothing except your own understanding.
"""

import jax, jax.numpy as jnp
import numpy as np

B = 16384
F = 26
V = 100000
D = 16
C = 13
HID = [1024, 512, 256]


def setup_inputs(seed: int = 0) -> dict:
    key = jax.random.key(seed)
    ks = jax.random.split(key, 16)
    cat_idx = jax.random.randint(ks[0], (B, F), 0, V, dtype=jnp.int64) if jax.config.jax_enable_x64 else jax.random.randint(ks[0], (B, F), 0, V, dtype=jnp.int32)
    cont = jax.random.normal(ks[1], (B, C), dtype=jnp.float32)
    tables = jax.random.normal(ks[2], (F, V, D), dtype=jnp.float32) * 0.01
    deep_in = F * D + C
    dims = [deep_in] + HID
    W1 = jax.random.normal(ks[3], (dims[0], dims[1]), dtype=jnp.float32) * (1.0 / np.sqrt(dims[0]))
    b1 = jnp.zeros((dims[1],), dtype=jnp.float32)
    W2 = jax.random.normal(ks[4], (dims[1], dims[2]), dtype=jnp.float32) * (1.0 / np.sqrt(dims[1]))
    b2 = jnp.zeros((dims[2],), dtype=jnp.float32)
    W3 = jax.random.normal(ks[5], (dims[2], dims[3]), dtype=jnp.float32) * (1.0 / np.sqrt(dims[2]))
    b3 = jnp.zeros((dims[3],), dtype=jnp.float32)
    Wf = jax.random.normal(ks[6], (dims[3], 1), dtype=jnp.float32) * (1.0 / np.sqrt(dims[3]))
    bf = jnp.zeros((1,), dtype=jnp.float32)
    return {"cat_idx": cat_idx, "cont": cont, "tables": tables, "W1": W1, "b1": b1, "W2": W2, "b2": b2, "W3": W3, "b3": b3, "Wf": Wf, "bf": bf}


def reference(cat_idx, cont, tables, W1, b1, W2, b2, W3, b3, Wf, bf):
    # FM embedding lookup: per-field gather from per-field tables
    # tables: [F, V, D], cat_idx: [B, F] -> emb: [B, F, D]
    emb = tables[jnp.arange(F)[None, :], cat_idx]
    # Deep tower: concat flattened fm embeddings with continuous features
    fm_flat = emb.reshape(emb.shape[0], F * D)
    deep_x = jnp.concatenate([fm_flat, cont], axis=1)
    deep_x = jax.nn.relu(deep_x @ W1 + b1)
    deep_x = jax.nn.relu(deep_x @ W2 + b2)
    deep_x = jax.nn.relu(deep_x @ W3 + b3)
    deep_out = deep_x @ Wf + bf  # [B, 1]
    # FM interaction: pairwise dot products between field embeddings (upper triangle)
    inter = jnp.einsum('bfd,bgd->bfg', emb, emb)  # [B, F, F]
    iu, ju = np.triu_indices(F, k=1)
    fm_x = inter[:, iu, ju]  # [B, F*(F-1)/2]
    combined = jnp.concatenate([fm_x, deep_out], axis=1)
    combined = jnp.sum(combined, axis=1, keepdims=True)
    return jax.nn.sigmoid(combined)

if __name__ == "__main__":
    import jax
    _d = setup_inputs()
    print(jax.jit(kernel)(*tuple(_d.values())))

</pallas_src>

<mosaic_0001>
#map = affine_map<(d0, d1) -> (0, 0)>
module attributes {stable_mosaic.version = 14 : i64} {
  func.func @body(%arg0: i32, %arg1: i32, %arg2: memref<2600000x16xf32, #tpu.memory_space<hbm>>, %arg3: memref<3328x128xi32, #tpu.memory_space<hbm>>, %arg4: memref<425984x16xf32, #tpu.memory_space<hbm>>, %arg5: memref<104x128xi32, #tpu.memory_space<vmem>>, %arg6: memref<1024x16xf32, #tpu.memory_space<vmem>>, %arg7: memref<!tpu.dma_semaphore, #tpu.memory_space<semaphore_mem>>) attributes {dimension_semantics = [#tpu.dimension_semantics<core_parallel>, #tpu.dimension_semantics<subcore_parallel>], iteration_bounds = array<i64: 2, 16>, scalar_prefetch = 0 : i64, scratch_operands = 3 : i64, tpu.core_type = #tpu.core_type<sc_vector_subcore>, window_params = [{transform_indices = #map}, {transform_indices = #map}, {transform_indices = #map}]} {
    %mul3A = arith.constant 2 : i32
    %mul3A_0 = arith.muli %arg1, %mul3A : i32
    %add3A = arith.addi %mul3A_0, %arg0 : i32
    %mul3A_1 = arith.constant 104 : i32
    %mul3A_2 = arith.muli %add3A, %mul3A_1 : i32
    "tpu.region"() ({
      %run_scoped3A = tpu.sem_alloc : memref<!tpu.dma_semaphore, #tpu.memory_space<semaphore_mem>>
      %dma_start3A = arith.constant 0 : i32
      %dma_start3A_7 = tpu.memref_slice %arg3[%mul3A_2, %dma_start3A] : memref<3328x128xi32, #tpu.memory_space<hbm>> -> memref<104x128xi32, #tpu.memory_space<hbm>>
      %dma_start3A_8 = arith.constant 0 : i32
      %dma_start3A_9 = tpu.memref_slice %arg3[%mul3A_2, %dma_start3A_8] : memref<3328x128xi32, #tpu.memory_space<hbm>> -> memref<104x128xi32, #tpu.memory_space<hbm>>
      tpu.enqueue_dma source(%dma_start3A_9 : memref<104x128xi32, #tpu.memory_space<hbm>>) target(%arg5 : memref<104x128xi32, #tpu.memory_space<vmem>>) target_semaphore(%run_scoped3A : memref<!tpu.dma_semaphore, #tpu.memory_space<semaphore_mem>>)
      %dma_wait3A = arith.constant 0 : i32
      %dma_wait3A_10 = tpu.memref_slice %arg3[%mul3A_2, %dma_wait3A] : memref<3328x128xi32, #tpu.memory_space<hbm>> -> memref<104x128xi32, #tpu.memory_space<hbm>>
      %dma_wait3A_11 = arith.constant 0 : i32
      %dma_wait3A_12 = tpu.memref_slice %arg3[%mul3A_2, %dma_wait3A_11] : memref<3328x128xi32, #tpu.memory_space<hbm>> -> memref<104x128xi32, #tpu.memory_space<hbm>>
      tpu.wait_dma2 semaphore(%run_scoped3A : memref<!tpu.dma_semaphore, #tpu.memory_space<semaphore_mem>>) src(%dma_wait3A_12 : memref<104x128xi32, #tpu.memory_space<hbm>>) dst(%arg5 : memref<104x128xi32, #tpu.memory_space<vmem>>)
      tpu.yield
    }) : () -> ()
    %scan3A = arith.constant 0 : i32
    %scan3A_3 = arith.constant 13 : i32
    %scan3A_4 = arith.addi %scan3A, %scan3A_3 : i32
    %scan3A_5 = arith.constant 1 : i32
    scf.for %scan3A_7 = %scan3A to %scan3A_4 step %scan3A_5  : i32 {
      %mul3A_8 = arith.constant 1 : i32
      %mul3A_9 = arith.muli %scan3A_7, %mul3A_8 : i32
      %add3A_10 = arith.constant 0 : i32
      %add3A_11 = arith.addi %add3A_10, %mul3A_9 : i32
      %mul3A_12 = arith.constant 8 : i32
      %mul3A_13 = arith.muli %add3A_11, %mul3A_12 : i32
      %add3A_14 = arith.constant 0 : i32
      %add3A_15 = arith.addi %mul3A_13, %add3A_14 : i32
      %dma_start3A = arith.constant 0 : i32
      %dma_start3A_16 = arith.constant 0 : i32
      %dma_start3A_17 = tpu.memref_slice %arg6[%dma_start3A, %dma_start3A_16] : memref<1024x16xf32, #tpu.memory_space<vmem>> -> memref<128x16xf32, #tpu.memory_space<vmem>>
      %dma_start3A_18 = arith.constant 0 : i32
      %dma_start3A_19 = tpu.memref_slice %arg5[%add3A_15, %dma_start3A_18] : memref<104x128xi32, #tpu.memory_space<vmem>> -> memref<1x128xi32, #tpu.memory_space<vmem>>
      %dma_start3A_20 = tpu.memref_squeeze %dma_start3A_19 : memref<1x128xi32, #tpu.memory_space<vmem>> -> memref<128xi32, #tpu.memory_space<vmem>>
      %dma_start3A_21 = arith.constant 0 : i32
      %dma_start3A_22 = arith.constant 0 : i32
      %dma_start3A_23 = tpu.memref_slice %arg2[%dma_start3A_21, %dma_start3A_22] : memref<2600000x16xf32, #tpu.memory_space<hbm>> -> memref<2600000x16xf32, #tpu.memory_space<hbm>>
      tpu.enqueue_indirect_dma source(%dma_start3A_23 : memref<2600000x16xf32, #tpu.memory_space<hbm>>) target(%dma_start3A_17 : memref<128x16xf32, #tpu.memory_space<vmem>>) offsets(%dma_start3A_20 : memref<128xi32, #tpu.memory_space<vmem>>) semaphore(%arg7 : memref<!tpu.dma_semaphore, #tpu.memory_space<semaphore_mem>>)
      %mul3A_24 = arith.constant 8 : i32
      %mul3A_25 = arith.muli %add3A_11, %mul3A_24 : i32
      %add3A_26 = arith.constant 1 : i32
      %add3A_27 = arith.addi %mul3A_25, %add3A_26 : i32
      %dma_start3A_28 = arith.constant 128 : i32
      %dma_start3A_29 = arith.constant 0 : i32
      %dma_start3A_30 = tpu.memref_slice %arg6[%dma_start3A_28, %dma_start3A_29] : memref<1024x16xf32, #tpu.memory_space<vmem>> -> memref<128x16xf32, #tpu.memory_space<vmem>>
      %dma_start3A_31 = arith.constant 0 : i32
      %dma_start3A_32 = tpu.memref_slice %arg5[%add3A_27, %dma_start3A_31] : memref<104x128xi32, #tpu.memory_space<vmem>> -> memref<1x128xi32, #tpu.memory_space<vmem>>
      %dma_start3A_33 = tpu.memref_squeeze %dma_start3A_32 : memref<1x128xi32, #tpu.memory_space<vmem>> -> memref<128xi32, #tpu.memory_space<vmem>>
      %dma_start3A_34 = arith.constant 0 : i32
      %dma_start3A_35 = arith.constant 0 : i32
      %dma_start3A_36 = tpu.memref_slice %arg2[%dma_start3A_34, %dma_start3A_35] : memref<2600000x16xf32, #tpu.memory_space<hbm>> -> memref<2600000x16xf32, #tpu.memory_space<hbm>>
      tpu.enqueue_indirect_dma source(%dma_start3A_36 : memref<2600000x16xf32, #tpu.memory_space<hbm>>) target(%dma_start3A_30 : memref<128x16xf32, #tpu.memory_space<vmem>>) offsets(%dma_start3A_33 : memref<128xi32, #tpu.memory_space<vmem>>) semaphore(%arg7 : memref<!tpu.dma_semaphore, #tpu.memory_space<semaphore_mem>>)
      %mul3A_37 = arith.constant 8 : i32
      %mul3A_38 = arith.muli %add3A_11, %mul3A_37 : i32
      %add3A_39 = arith.constant 2 : i32
      %add3A_40 = arith.addi %mul3A_38, %add3A_39 : i32
      %dma_start3A_41 = arith.constant 256 : i32
      %dma_start3A_42 = arith.constant 0 : i32
      %dma_start3A_43 = tpu.memref_slice %arg6[%dma_start3A_41, %dma_start3A_42] : memref<1024x16xf32, #tpu.memory_space<vmem>> -> memref<128x16xf32, #tpu.memory_space<vmem>>
      %dma_start3A_44 = arith.constant 0 : i32
      %dma_start3A_45 = tpu.memref_slice %arg5[%add3A_40, %dma_start3A_44] : memref<104x128xi32, #tpu.memory_space<vmem>> -> memref<1x128xi32, #tpu.memory_space<vmem>>
      %dma_start3A_46 = tpu.memref_squeeze %dma_start3A_45 : memref<1x128xi32, #tpu.memory_space<vmem>> -> memref<128xi32, #tpu.memory_space<vmem>>
      %dma_start3A_47 = arith.constant 0 : i32
      %dma_start3A_48 = arith.constant 0 : i32
      %dma_start3A_49 = tpu.memref_slice %arg2[%dma_start3A_47, %dma_start3A_48] : memref<2600000x16xf32, #tpu.memory_space<hbm>> -> memref<2600000x16xf32, #tpu.memory_space<hbm>>
      tpu.enqueue_indirect_dma source(%dma_start3A_49 : memref<2600000x16xf32, #tpu.memory_space<hbm>>) target(%dma_start3A_43 : memref<128x16xf32, #tpu.memory_space<vmem>>) offsets(%dma_start3A_46 : memref<128xi32, #tpu.memory_space<vmem>>) semaphore(%arg7 : memref<!tpu.dma_semaphore, #tpu.memory_space<semaphore_mem>>)
      %mul3A_50 = arith.constant 8 : i32
      %mul3A_51 = arith.muli %add3A_11, %mul3A_50 : i32
      %add3A_52 = arith.constant 3 : i32
      %add3A_53 = arith.addi %mul3A_51, %add3A_52 : i32
      %dma_start3A_54 = arith.constant 384 : i32
      %dma_start3A_55 = arith.constant 0 : i32
      %dma_start3A_56 = tpu.memref_slice %arg6[%dma_start3A_54, %dma_start3A_55] : memref<1024x16xf32, #tpu.memory_space<vmem>> -> memref<128x16xf32, #tpu.memory_space<vmem>>
      %dma_start3A_57 = arith.constant 0 : i32
      %dma_start3A_58 = tpu.memref_slice %arg5[%add3A_53, %dma_start3A_57] : memref<104x128xi32, #tpu.memory_space<vmem>> -> memref<1x128xi32, #tpu.memory_space<vmem>>
      %dma_start3A_59 = tpu.memref_squeeze %dma_start3A_58 : memref<1x128xi32, #tpu.memory_space<vmem>> -> memref<128xi32, #tpu.memory_space<vmem>>
      %dma_start3A_60 = arith.constant 0 : i32
      %dma_start3A_61 = arith.constant 0 : i32
      %dma_start3A_62 = tpu.memref_slice %arg2[%dma_start3A_60, %dma_start3A_61] : memref<2600000x16xf32, #tpu.memory_space<hbm>> -> memref<2600000x16xf32, #tpu.memory_space<hbm>>
      tpu.enqueue_indirect_dma source(%dma_start3A_62 : memref<2600000x16xf32, #tpu.memory_space<hbm>>) target(%dma_start3A_56 : memref<128x16xf32, #tpu.memory_space<vmem>>) offsets(%dma_start3A_59 : memref<128xi32, #tpu.memory_space<vmem>>) semaphore(%arg7 : memref<!tpu.dma_semaphore, #tpu.memory_space<semaphore_mem>>)
      %mul3A_63 = arith.constant 8 : i32
      %mul3A_64 = arith.muli %add3A_11, %mul3A_63 : i32
      %add3A_65 = arith.constant 4 : i32
      %add3A_66 = arith.addi %mul3A_64, %add3A_65 : i32
      %dma_start3A_67 = arith.constant 512 : i32
      %dma_start3A_68 = arith.constant 0 : i32
      %dma_start3A_69 = tpu.memref_slice %arg6[%dma_start3A_67, %dma_start3A_68] : memref<1024x16xf32, #tpu.memory_space<vmem>> -> memref<128x16xf32, #tpu.memory_space<vmem>>
      %dma_start3A_70 = arith.constant 0 : i32
      %dma_start3A_71 = tpu.memref_slice %arg5[%add3A_66, %dma_start3A_70] : memref<104x128xi32, #tpu.memory_space<vmem>> -> memref<1x128xi32, #tpu.memory_space<vmem>>
      %dma_start3A_72 = tpu.memref_squeeze %dma_start3A_71 : memref<1x128xi32, #tpu.memory_space<vmem>> -> memref<128xi32, #tpu.memory_space<vmem>>
      %dma_start3A_73 = arith.constant 0 : i32
      %dma_start3A_74 = arith.constant 0 : i32
      %dma_start3A_75 = tpu.memref_slice %arg2[%dma_start3A_73, %dma_start3A_74] : memref<2600000x16xf32, #tpu.memory_space<hbm>> -> memref<2600000x16xf32, #tpu.memory_space<hbm>>
      tpu.enqueue_indirect_dma source(%dma_start3A_75 : memref<2600000x16xf32, #tpu.memory_space<hbm>>) target(%dma_start3A_69 : memref<128x16xf32, #tpu.memory_space<vmem>>) offsets(%dma_start3A_72 : memref<128xi32, #tpu.memory_space<vmem>>) semaphore(%arg7 : memref<!tpu.dma_semaphore, #tpu.memory_space<semaphore_mem>>)
      %mul3A_76 = arith.constant 8 : i32
      %mul3A_77 = arith.muli %add3A_11, %mul3A_76 : i32
      %add3A_78 = arith.constant 5 : i32
      %add3A_79 = arith.addi %mul3A_77, %add3A_78 : i32
      %dma_start3A_80 = arith.constant 640 : i32
      %dma_start3A_81 = arith.constant 0 : i32
      %dma_start3A_82 = tpu.memref_slice %arg6[%dma_start3A_80, %dma_start3A_81] : memref<1024x16xf32, #tpu.memory_space<vmem>> -> memref<128x16xf32, #tpu.memory_space<vmem>>
      %dma_start3A_83 = arith.constant 0 : i32
      %dma_start3A_84 = tpu.memref_slice %arg5[%add3A_79, %dma_start3A_83] : memref<104x128xi32, #tpu.memory_space<vmem>> -> memref<1x128xi32, #tpu.memory_space<vmem>>
      %dma_start3A_85 = tpu.memref_squeeze %dma_start3A_84 : memref<1x128xi32, #tpu.memory_space<vmem>> -> memref<128xi32, #tpu.memory_space<vmem>>
      %dma_start3A_86 = arith.constant 0 : i32
      %dma_start3A_87 = arith.constant 0 : i32
      %dma_start3A_88 = tpu.memref_slice %arg2[%dma_start3A_86, %dma_start3A_87] : memref<2600000x16xf32, #tpu.memory_space<hbm>> -> memref<2600000x16xf32, #tpu.memory_space<hbm>>
      tpu.enqueue_indirect_dma source(%dma_start3A_88 : memref<2600000x16xf32, #tpu.memory_space<hbm>>) target(%dma_start3A_82 : memref<128x16xf32, #tpu.memory_space<vmem>>) offsets(%dma_start3A_85 : memref<128xi32, #tpu.memory_space<vmem>>) semaphore(%arg7 : memref<!tpu.dma_semaphore, #tpu.memory_space<semaphore_mem>>)
      %mul3A_89 = arith.constant 8 : i32
      %mul3A_90 = arith.muli %add3A_11, %mul3A_89 : i32
      %add3A_91 = arith.constant 6 : i32
      %add3A_92 = arith.addi %mul3A_90, %add3A_91 : i32
      %dma_start3A_93 = arith.constant 768 : i32
      %dma_start3A_94 = arith.constant 0 : i32
      %dma_start3A_95 = tpu.memref_slice %arg6[%dma_start3A_93, %dma_start3A_94] : memref<1024x16xf32, #tpu.memory_space<vmem>> -> memref<128x16xf32, #tpu.memory_space<vmem>>
      %dma_start3A_96 = arith.constant 0 : i32
      %dma_start3A_97 = tpu.memref_slice %arg5[%add3A_92, %dma_start3A_96] : memref<104x128xi32, #tpu.memory_space<vmem>> -> memref<1x128xi32, #tpu.memory_space<vmem>>
      %dma_start3A_98 = tpu.memref_squeeze %dma_start3A_97 : memref<1x128xi32, #tpu.memory_space<vmem>> -> memref<128xi32, #tpu.memory_space<vmem>>
      %dma_start3A_99 = arith.constant 0 : i32
      %dma_start3A_100 = arith.constant 0 : i32
      %dma_start3A_101 = tpu.memref_slice %arg2[%dma_start3A_99, %dma_start3A_100] : memref<2600000x16xf32, #tpu.memory_space<hbm>> -> memref<2600000x16xf32, #tpu.memory_space<hbm>>
      tpu.enqueue_indirect_dma source(%dma_start3A_101 : memref<2600000x16xf32, #tpu.memory_space<hbm>>) target(%dma_start3A_95 : memref<128x16xf32, #tpu.memory_space<vmem>>) offsets(%dma_start3A_98 : memref<128xi32, #tpu.memory_space<vmem>>) semaphore(%arg7 : memref<!tpu.dma_semaphore, #tpu.memory_space<semaphore_mem>>)
      %mul3A_102 = arith.constant 8 : i32
      %mul3A_103 = arith.muli %add3A_11, %mul3A_102 : i32
      %add3A_104 = arith.constant 7 : i32
      %add3A_105 = arith.addi %mul3A_103, %add3A_104 : i32
      %dma_start3A_106 = arith.constant 896 : i32
      %dma_start3A_107 = arith.constant 0 : i32
      %dma_start3A_108 = tpu.memref_slice %arg6[%dma_start3A_106, %dma_start3A_107] : memref<1024x16xf32, #tpu.memory_space<vmem>> -> memref<128x16xf32, #tpu.memory_space<vmem>>
      %dma_start3A_109 = arith.constant 0 : i32
      %dma_start3A_110 = tpu.memref_slice %arg5[%add3A_105, %dma_start3A_109] : memref<104x128xi32, #tpu.memory_space<vmem>> -> memref<1x128xi32, #tpu.memory_space<vmem>>
      %dma_start3A_111 = tpu.memref_squeeze %dma_start3A_110 : memref<1x128xi32, #tpu.memory_space<vmem>> -> memref<128xi32, #tpu.memory_space<vmem>>
      %dma_start3A_112 = arith.constant 0 : i32
      %dma_start3A_113 = arith.constant 0 : i32
      %dma_start3A_114 = tpu.memref_slice %arg2[%dma_start3A_112, %dma_start3A_113] : memref<2600000x16xf32, #tpu.memory_space<hbm>> -> memref<2600000x16xf32, #tpu.memory_space<hbm>>
      tpu.enqueue_indirect_dma source(%dma_start3A_114 : memref<2600000x16xf32, #tpu.memory_space<hbm>>) target(%dma_start3A_108 : memref<128x16xf32, #tpu.memory_space<vmem>>) offsets(%dma_start3A_111 : memref<128xi32, #tpu.memory_space<vmem>>) semaphore(%arg7 : memref<!tpu.dma_semaphore, #tpu.memory_space<semaphore_mem>>)
      %dma_wait3A = arith.constant 0 : i32
      %dma_wait3A_115 = arith.constant 0 : i32
      %dma_wait3A_116 = tpu.memref_slice %arg6[%dma_wait3A, %dma_wait3A_115] : memref<1024x16xf32, #tpu.memory_space<vmem>> -> memref<128x16xf32, #tpu.memory_space<vmem>>
      %dma_wait3A_117 = arith.constant 0 : i32
      %dma_wait3A_118 = tpu.memref_slice %arg5[%add3A_15, %dma_wait3A_117] : memref<104x128xi32, #tpu.memory_space<vmem>> -> memref<1x128xi32, #tpu.memory_space<vmem>>
      %dma_wait3A_119 = tpu.memref_squeeze %dma_wait3A_118 : memref<1x128xi32, #tpu.memory_space<vmem>> -> memref<128xi32, #tpu.memory_space<vmem>>
      %dma_wait3A_120 = arith.constant 0 : i32
      %dma_wait3A_121 = arith.constant 0 : i32
      %dma_wait3A_122 = tpu.memref_slice %arg2[%dma_wait3A_120, %dma_wait3A_121] : memref<2600000x16xf32, #tpu.memory_space<hbm>> -> memref<2600000x16xf32, #tpu.memory_space<hbm>>
      tpu.wait_indirect_dma semaphore(%arg7 : memref<!tpu.dma_semaphore, #tpu.memory_space<semaphore_mem>>) src(%dma_wait3A_122 : memref<2600000x16xf32, #tpu.memory_space<hbm>>) dst(%dma_wait3A_116 : memref<128x16xf32, #tpu.memory_space<vmem>>)
      %dma_wait3A_123 = arith.constant 128 : i32
      %dma_wait3A_124 = arith.constant 0 : i32
      %dma_wait3A_125 = tpu.memref_slice %arg6[%dma_wait3A_123, %dma_wait3A_124] : memref<1024x16xf32, #tpu.memory_space<vmem>> -> memref<128x16xf32, #tpu.memory_space<vmem>>
      %dma_wait3A_126 = arith.constant 0 : i32
      %dma_wait3A_127 = tpu.memref_slice %arg5[%add3A_27, %dma_wait3A_126] : memref<104x128xi32, #tpu.memory_space<vmem>> -> memref<1x128xi32, #tpu.memory_space<vmem>>
      %dma_wait3A_128 = tpu.memref_squeeze %dma_wait3A_127 : memref<1x128xi32, #tpu.memory_space<vmem>> -> memref<128xi32, #tpu.memory_space<vmem>>
      %dma_wait3A_129 = arith.constant 0 : i32
      %dma_wait3A_130 = arith.constant 0 : i32
      %dma_wait3A_131 = tpu.memref_slice %arg2[%dma_wait3A_129, %dma_wait3A_130] : memref<2600000x16xf32, #tpu.memory_space<hbm>> -> memref<2600000x16xf32, #tpu.memory_space<hbm>>
      tpu.wait_indirect_dma semaphore(%arg7 : memref<!tpu.dma_semaphore, #tpu.memory_space<semaphore_mem>>) src(%dma_wait3A_131 : memref<2600000x16xf32, #tpu.memory_space<hbm>>) dst(%dma_wait3A_125 : memref<128x16xf32, #tpu.memory_space<vmem>>)
      %dma_wait3A_132 = arith.constant 256 : i32
      %dma_wait3A_133 = arith.constant 0 : i32
      %dma_wait3A_134 = tpu.memref_slice %arg6[%dma_wait3A_132, %dma_wait3A_133] : memref<1024x16xf32, #tpu.memory_space<vmem>> -> memref<128x16xf32, #tpu.memory_space<vmem>>
      %dma_wait3A_135 = arith.constant 0 : i32
      %dma_wait3A_136 = tpu.memref_slice %arg5[%add3A_40, %dma_wait3A_135] : memref<104x128xi32, #tpu.memory_space<vmem>> -> memref<1x128xi32, #tpu.memory_space<vmem>>
      %dma_wait3A_137 = tpu.memref_squeeze %dma_wait3A_136 : memref<1x128xi32, #tpu.memory_space<vmem>> -> memref<128xi32, #tpu.memory_space<vmem>>
      %dma_wait3A_138 = arith.constant 0 : i32
      %dma_wait3A_139 = arith.constant 0 : i32
      %dma_wait3A_140 = tpu.memref_slice %arg2[%dma_wait3A_138, %dma_wait3A_139] : memref<2600000x16xf32, #tpu.memory_space<hbm>> -> memref<2600000x16xf32, #tpu.memory_space<hbm>>
      tpu.wait_indirect_dma semaphore(%arg7 : memref<!tpu.dma_semaphore, #tpu.memory_space<semaphore_mem>>) src(%dma_wait3A_140 : memref<2600000x16xf32, #tpu.memory_space<hbm>>) dst(%dma_wait3A_134 : memref<128x16xf32, #tpu.memory_space<vmem>>)
      %dma_wait3A_141 = arith.constant 384 : i32
      %dma_wait3A_142 = arith.constant 0 : i32
      %dma_wait3A_143 = tpu.memref_slice %arg6[%dma_wait3A_141, %dma_wait3A_142] : memref<1024x16xf32, #tpu.memory_space<vmem>> -> memref<128x16xf32, #tpu.memory_space<vmem>>
      %dma_wait3A_144 = arith.constant 0 : i32
      %dma_wait3A_145 = tpu.memref_slice %arg5[%add3A_53, %dma_wait3A_144] : memref<104x128xi32, #tpu.memory_space<vmem>> -> memref<1x128xi32, #tpu.memory_space<vmem>>
      %dma_wait3A_146 = tpu.memref_squeeze %dma_wait3A_145 : memref<1x128xi32, #tpu.memory_space<vmem>> -> memref<128xi32, #tpu.memory_space<vmem>>
      %dma_wait3A_147 = arith.constant 0 : i32
      %dma_wait3A_148 = arith.constant 0 : i32
      %dma_wait3A_149 = tpu.memref_slice %arg2[%dma_wait3A_147, %dma_wait3A_148] : memref<2600000x16xf32, #tpu.memory_space<hbm>> -> memref<2600000x16xf32, #tpu.memory_space<hbm>>
      tpu.wait_indirect_dma semaphore(%arg7 : memref<!tpu.dma_semaphore, #tpu.memory_space<semaphore_mem>>) src(%dma_wait3A_149 : memref<2600000x16xf32, #tpu.memory_space<hbm>>) dst(%dma_wait3A_143 : memref<128x16xf32, #tpu.memory_space<vmem>>)
      %dma_wait3A_150 = arith.constant 512 : i32
      %dma_wait3A_151 = arith.constant 0 : i32
      %dma_wait3A_152 = tpu.memref_slice %arg6[%dma_wait3A_150, %dma_wait3A_151] : memref<1024x16xf32, #tpu.memory_space<vmem>> -> memref<128x16xf32, #tpu.memory_space<vmem>>
      %dma_wait3A_153 = arith.constant 0 : i32
      %dma_wait3A_154 = tpu.memref_slice %arg5[%add3A_66, %dma_wait3A_153] : memref<104x128xi32, #tpu.memory_space<vmem>> -> memref<1x128xi32, #tpu.memory_space<vmem>>
      %dma_wait3A_155 = tpu.memref_squeeze %dma_wait3A_154 : memref<1x128xi32, #tpu.memory_space<vmem>> -> memref<128xi32, #tpu.memory_space<vmem>>
      %dma_wait3A_156 = arith.constant 0 : i32
      %dma_wait3A_157 = arith.constant 0 : i32
      %dma_wait3A_158 = tpu.memref_slice %arg2[%dma_wait3A_156, %dma_wait3A_157] : memref<2600000x16xf32, #tpu.memory_space<hbm>> -> memref<2600000x16xf32, #tpu.memory_space<hbm>>
      tpu.wait_indirect_dma semaphore(%arg7 : memref<!tpu.dma_semaphore, #tpu.memory_space<semaphore_mem>>) src(%dma_wait3A_158 : memref<2600000x16xf32, #tpu.memory_space<hbm>>) dst(%dma_wait3A_152 : memref<128x16xf32, #tpu.memory_space<vmem>>)
      %dma_wait3A_159 = arith.constant 640 : i32
      %dma_wait3A_160 = arith.constant 0 : i32
      %dma_wait3A_161 = tpu.memref_slice %arg6[%dma_wait3A_159, %dma_wait3A_160] : memref<1024x16xf32, #tpu.memory_space<vmem>> -> memref<128x16xf32, #tpu.memory_space<vmem>>
      %dma_wait3A_162 = arith.constant 0 : i32
      %dma_wait3A_163 = tpu.memref_slice %arg5[%add3A_79, %dma_wait3A_162] : memref<104x128xi32, #tpu.memory_space<vmem>> -> memref<1x128xi32, #tpu.memory_space<vmem>>
      %dma_wait3A_164 = tpu.memref_squeeze %dma_wait3A_163 : memref<1x128xi32, #tpu.memory_space<vmem>> -> memref<128xi32, #tpu.memory_space<vmem>>
      %dma_wait3A_165 = arith.constant 0 : i32
      %dma_wait3A_166 = arith.constant 0 : i32
      %dma_wait3A_167 = tpu.memref_slice %arg2[%dma_wait3A_165, %dma_wait3A_166] : memref<2600000x16xf32, #tpu.memory_space<hbm>> -> memref<2600000x16xf32, #tpu.memory_space<hbm>>
      tpu.wait_indirect_dma semaphore(%arg7 : memref<!tpu.dma_semaphore, #tpu.memory_space<semaphore_mem>>) src(%dma_wait3A_167 : memref<2600000x16xf32, #tpu.memory_space<hbm>>) dst(%dma_wait3A_161 : memref<128x16xf32, #tpu.memory_space<vmem>>)
      %dma_wait3A_168 = arith.constant 768 : i32
      %dma_wait3A_169 = arith.constant 0 : i32
      %dma_wait3A_170 = tpu.memref_slice %arg6[%dma_wait3A_168, %dma_wait3A_169] : memref<1024x16xf32, #tpu.memory_space<vmem>> -> memref<128x16xf32, #tpu.memory_space<vmem>>
      %dma_wait3A_171 = arith.constant 0 : i32
      %dma_wait3A_172 = tpu.memref_slice %arg5[%add3A_92, %dma_wait3A_171] : memref<104x128xi32, #tpu.memory_space<vmem>> -> memref<1x128xi32, #tpu.memory_space<vmem>>
      %dma_wait3A_173 = tpu.memref_squeeze %dma_wait3A_172 : memref<1x128xi32, #tpu.memory_space<vmem>> -> memref<128xi32, #tpu.memory_space<vmem>>
      %dma_wait3A_174 = arith.constant 0 : i32
      %dma_wait3A_175 = arith.constant 0 : i32
      %dma_wait3A_176 = tpu.memref_slice %arg2[%dma_wait3A_174, %dma_wait3A_175] : memref<2600000x16xf32, #tpu.memory_space<hbm>> -> memref<2600000x16xf32, #tpu.memory_space<hbm>>
      tpu.wait_indirect_dma semaphore(%arg7 : memref<!tpu.dma_semaphore, #tpu.memory_space<semaphore_mem>>) src(%dma_wait3A_176 : memref<2600000x16xf32, #tpu.memory_space<hbm>>) dst(%dma_wait3A_170 : memref<128x16xf32, #tpu.memory_space<vmem>>)
      %dma_wait3A_177 = arith.constant 896 : i32
      %dma_wait3A_178 = arith.constant 0 : i32
      %dma_wait3A_179 = tpu.memref_slice %arg6[%dma_wait3A_177, %dma_wait3A_178] : memref<1024x16xf32, #tpu.memory_space<vmem>> -> memref<128x16xf32, #tpu.memory_space<vmem>>
      %dma_wait3A_180 = arith.constant 0 : i32
      %dma_wait3A_181 = tpu.memref_slice %arg5[%add3A_105, %dma_wait3A_180] : memref<104x128xi32, #tpu.memory_space<vmem>> -> memref<1x128xi32, #tpu.memory_space<vmem>>
      %dma_wait3A_182 = tpu.memref_squeeze %dma_wait3A_181 : memref<1x128xi32, #tpu.memory_space<vmem>> -> memref<128xi32, #tpu.memory_space<vmem>>
      %dma_wait3A_183 = arith.constant 0 : i32
      %dma_wait3A_184 = arith.constant 0 : i32
      %dma_wait3A_185 = tpu.memref_slice %arg2[%dma_wait3A_183, %dma_wait3A_184] : memref<2600000x16xf32, #tpu.memory_space<hbm>> -> memref<2600000x16xf32, #tpu.memory_space<hbm>>
      tpu.wait_indirect_dma semaphore(%arg7 : memref<!tpu.dma_semaphore, #tpu.memory_space<semaphore_mem>>) src(%dma_wait3A_185 : memref<2600000x16xf32, #tpu.memory_space<hbm>>) dst(%dma_wait3A_179 : memref<128x16xf32, #tpu.memory_space<vmem>>)
      %mul3A_186 = arith.constant 8 : i32
      %mul3A_187 = arith.muli %add3A_11, %mul3A_186 : i32
      %add3A_188 = arith.addi %mul3A_2, %mul3A_187 : i32
      %mul3A_189 = arith.constant 128 : i32
      %mul3A_190 = arith.muli %add3A_188, %mul3A_189 : i32
      "tpu.region"() ({
        %run_scoped3A = tpu.sem_alloc : memref<!tpu.dma_semaphore, #tpu.memory_space<semaphore_mem>>
        %dma_start3A_191 = arith.constant 0 : i32
        %dma_start3A_192 = tpu.memref_slice %arg4[%mul3A_190, %dma_start3A_191] : memref<425984x16xf32, #tpu.memory_space<hbm>> -> memref<1024x16xf32, #tpu.memory_space<hbm>>
        %dma_start3A_193 = arith.constant 0 : i32
        %dma_start3A_194 = tpu.memref_slice %arg4[%mul3A_190, %dma_start3A_193] : memref<425984x16xf32, #tpu.memory_space<hbm>> -> memref<1024x16xf32, #tpu.memory_space<hbm>>
        tpu.enqueue_dma source(%arg6 : memref<1024x16xf32, #tpu.memory_space<vmem>>) target(%dma_start3A_194 : memref<1024x16xf32, #tpu.memory_space<hbm>>) target_semaphore(%run_scoped3A : memref<!tpu.dma_semaphore, #tpu.memory_space<semaphore_mem>>)
        %dma_wait3A_195 = arith.constant 0 : i32
        %dma_wait3A_196 = tpu.memref_slice %arg4[%mul3A_190, %dma_wait3A_195] : memref<425984x16xf32, #tpu.memory_space<hbm>> -> memref<1024x16xf32, #tpu.memory_space<hbm>>
        %dma_wait3A_197 = arith.constant 0 : i32
        %dma_wait3A_198 = tpu.memref_slice %arg4[%mul3A_190, %dma_wait3A_197] : memref<425984x16xf32, #tpu.memory_space<hbm>> -> memref<1024x16xf32, #tpu.memory_space<hbm>>
        tpu.wait_dma2 semaphore(%run_scoped3A : memref<!tpu.dma_semaphore, #tpu.memory_space<semaphore_mem>>) src(%arg6 : memref<1024x16xf32, #tpu.memory_space<vmem>>) dst(%dma_wait3A_198 : memref<1024x16xf32, #tpu.memory_space<hbm>>)
        tpu.yield
      }) : () -> ()
    }
    %scan3A_6 = arith.constant 13 : i32
    return
  }
}

#map = affine_map<(d0, d1) -> (0, 0, 0)>
module attributes {stable_mosaic.version = 14 : i64} {
  func.func @body(%arg0: i32, %arg1: i32, %arg2: memref<26x16x100000xf32, #tpu.memory_space<hbm>>, %arg3: memref<26x100000x16xf32, #tpu.memory_space<hbm>>, %arg4: memref<51200xf32, #tpu.memory_space<vmem>>, %arg5: memref<3200x16xf32, #tpu.memory_space<vmem>>, %arg6: memref<!tpu.dma_semaphore, #tpu.memory_space<semaphore_mem>>) attributes {dimension_semantics = [#tpu.dimension_semantics<core_parallel>, #tpu.dimension_semantics<subcore_parallel>], iteration_bounds = array<i64: 2, 16>, scalar_prefetch = 0 : i64, scratch_operands = 3 : i64, tpu.core_type = #tpu.core_type<sc_vector_subcore>, window_params = [{transform_indices = #map}, {transform_indices = #map}]} {
    %mul3A = arith.constant 2 : i32
    %mul3A_0 = arith.muli %arg1, %mul3A : i32
    %add3A = arith.addi %mul3A_0, %arg0 : i32
    %iota3A = tpu.iota {dimensions = array<i32: 0>} : vector<16xi32>
    %mul3A_1 = arith.constant 3200 : i32
    %mul3A_2 = vector.broadcast %mul3A_1 : i32 to vector<16xi32>
    %mul3A_3 = arith.muli %iota3A, %mul3A_2 : vector<16xi32>
    %scan3A = arith.constant 0 : i32
    %scan3A_4 = arith.constant 26 : i32
    %scan3A_5 = arith.addi %scan3A, %scan3A_4 : i32
    %scan3A_6 = arith.constant 1 : i32
    scf.for %scan3A_8 = %scan3A to %scan3A_5 step %scan3A_6  : i32 {
      %mul3A_9 = arith.constant 1 : i32
      %mul3A_10 = arith.muli %scan3A_8, %mul3A_9 : i32
      %add3A_11 = arith.constant 0 : i32
      %add3A_12 = arith.addi %add3A_11, %mul3A_10 : i32
      %mul3A_13 = arith.constant 26 : i32
      %mul3A_14 = arith.muli %add3A, %mul3A_13 : i32
      %add3A_15 = arith.addi %mul3A_14, %add3A_12 : i32
      %jit3A = arith.constant 32 : i32
      %div3A = arith.divsi %add3A_15, %jit3A : i32
      %sign3A = arith.constant 0 : i32
      %sign3A_16 = arith.cmpi sgt, %add3A_15, %sign3A : i32
      %sign3A_17 = arith.extui %sign3A_16 : i1 to i32
      %sign3A_18 = arith.constant 0 : i32
      %sign3A_19 = arith.cmpi slt, %add3A_15, %sign3A_18 : i32
      %sign3A_20 = arith.extui %sign3A_19 : i1 to i32
      %sign3A_21 = arith.subi %sign3A_17, %sign3A_20 : i32
      %sign3A_22 = arith.constant 0 : i32
      %sign3A_23 = arith.cmpi sgt, %jit3A, %sign3A_22 : i32
      %sign3A_24 = arith.extui %sign3A_23 : i1 to i32
      %sign3A_25 = arith.constant 0 : i32
      %sign3A_26 = arith.cmpi slt, %jit3A, %sign3A_25 : i32
      %sign3A_27 = arith.extui %sign3A_26 : i1 to i32
      %sign3A_28 = arith.subi %sign3A_24, %sign3A_27 : i32
      %ne3A = arith.cmpi ne, %sign3A_21, %sign3A_28 : i32
      %rem3A = arith.remsi %add3A_15, %jit3A : i32
      %ne3A_29 = arith.constant 0 : i32
      %ne3A_30 = arith.cmpi ne, %rem3A, %ne3A_29 : i32
      %and3A = arith.andi %ne3A, %ne3A_30 : i1
      %sub3A = arith.constant 1 : i32
      %sub3A_31 = arith.subi %div3A, %sub3A : i32
      %select_n3A = arith.select %and3A, %sub3A_31, %div3A : i32
      %jit3A_32 = arith.constant 32 : i32
      %eq3A = arith.constant 0 : i32
      %eq3A_33 = arith.cmpi eq, %jit3A_32, %eq3A : i32
      %jit3A_34 = arith.constant 1 : i32
      %select_n3A_35 = arith.select %eq3A_33, %jit3A_34, %jit3A_32 : i32
      %rem3A_36 = arith.remsi %add3A_15, %select_n3A_35 : i32
      %ne3A_37 = arith.constant 0 : i32
      %ne3A_38 = arith.cmpi ne, %rem3A_36, %ne3A_37 : i32
      %lt3A = arith.constant 0 : i32
      %lt3A_39 = arith.cmpi slt, %rem3A_36, %lt3A : i32
      %lt3A_40 = arith.constant 0 : i32
      %lt3A_41 = arith.cmpi slt, %select_n3A_35, %lt3A_40 : i32
      %ne3A_42 = arith.xori %lt3A_39, %lt3A_41 : i1
      %and3A_43 = arith.andi %ne3A_42, %ne3A_38 : i1
      %add3A_44 = arith.addi %rem3A_36, %select_n3A_35 : i32
      %select_n3A_45 = arith.select %and3A_43, %add3A_44, %rem3A_36 : i32
      %eq3A_46 = arith.constant 31 : i32
      %eq3A_47 = arith.cmpi eq, %select_n3A_45, %eq3A_46 : i32
      %mul3A_48 = arith.constant 3200 : i32
      %mul3A_49 = arith.muli %select_n3A_45, %mul3A_48 : i32
      %jit3A_50 = arith.constant 99200 : i32
      %select_n3A_51 = arith.select %eq3A_47, %jit3A_50, %mul3A_49 : i32
      %not3A = arith.constant true
      %not3A_52 = arith.xori %eq3A_47, %not3A : i1
      %convert_element_type3A = arith.extui %not3A_52 : i1 to i32
      %cond3A = arith.constant 0 : i32
      %cond3A_53 = arith.cmpi ne, %convert_element_type3A, %cond3A : i32
      scf.if %cond3A_53 {
        %dma_start3A = arith.constant 0 : i32
        %dma_start3A_57 = arith.constant 0 : i32
        %dma_start3A_58 = tpu.memref_slice %arg4[%dma_start3A_57] : memref<51200xf32, #tpu.memory_space<vmem>> -> memref<3200xf32, #tpu.memory_space<vmem>>
        %dma_start3A_59 = tpu.memref_slice %arg2[%select_n3A, %dma_start3A, %select_n3A_51] : memref<26x16x100000xf32, #tpu.memory_space<hbm>> -> memref<1x1x3200xf32, #tpu.memory_space<hbm>>
        %dma_start3A_60 = tpu.memref_squeeze %dma_start3A_59 : memref<1x1x3200xf32, #tpu.memory_space<hbm>> -> memref<3200xf32, #tpu.memory_space<hbm>>
        %dma_start3A_61 = arith.constant 0 : i32
        %dma_start3A_62 = tpu.memref_slice %arg4[%dma_start3A_61] : memref<51200xf32, #tpu.memory_space<vmem>> -> memref<3200xf32, #tpu.memory_space<vmem>>
        %dma_start3A_63 = tpu.memref_slice %arg2[%select_n3A, %dma_start3A, %select_n3A_51] : memref<26x16x100000xf32, #tpu.memory_space<hbm>> -> memref<1x1x3200xf32, #tpu.memory_space<hbm>>
        %dma_start3A_64 = tpu.memref_squeeze %dma_start3A_63 : memref<1x1x3200xf32, #tpu.memory_space<hbm>> -> memref<3200xf32, #tpu.memory_space<hbm>>
        tpu.enqueue_dma source(%dma_start3A_64 : memref<3200xf32, #tpu.memory_space<hbm>>) target(%dma_start3A_62 : memref<3200xf32, #tpu.memory_space<vmem>>) target_semaphore(%arg6 : memref<!tpu.dma_semaphore, #tpu.memory_space<semaphore_mem>>)
        %dma_start3A_65 = arith.constant 1 : i32
        %dma_start3A_66 = arith.constant 3200 : i32
        %dma_start3A_67 = tpu.memref_slice %arg4[%dma_start3A_66] : memref<51200xf32, #tpu.memory_space<vmem>> -> memref<3200xf32, #tpu.memory_space<vmem>>
        %dma_start3A_68 = tpu.memref_slice %arg2[%select_n3A, %dma_start3A_65, %select_n3A_51] : memref<26x16x100000xf32, #tpu.memory_space<hbm>> -> memref<1x1x3200xf32, #tpu.memory_space<hbm>>
        %dma_start3A_69 = tpu.memref_squeeze %dma_start3A_68 : memref<1x1x3200xf32, #tpu.memory_space<hbm>> -> memref<3200xf32, #tpu.memory_space<hbm>>
        %dma_start3A_70 = arith.constant 3200 : i32
        %dma_start3A_71 = tpu.memref_slice %arg4[%dma_start3A_70] : memref<51200xf32, #tpu.memory_space<vmem>> -> memref<3200xf32, #tpu.memory_space<vmem>>
        %dma_start3A_72 = tpu.memref_slice %arg2[%select_n3A, %dma_start3A_65, %select_n3A_51] : memref<26x16x100000xf32, #tpu.memory_space<hbm>> -> memref<1x1x3200xf32, #tpu.memory_space<hbm>>
        %dma_start3A_73 = tpu.memref_squeeze %dma_start3A_72 : memref<1x1x3200xf32, #tpu.memory_space<hbm>> -> memref<3200xf32, #tpu.memory_space<hbm>>
        tpu.enqueue_dma source(%dma_start3A_73 : memref<3200xf32, #tpu.memory_space<hbm>>) target(%dma_start3A_71 : memref<3200xf32, #tpu.memory_space<vmem>>) target_semaphore(%arg6 : memref<!tpu.dma_semaphore, #tpu.memory_space<semaphore_mem>>)
        %dma_start3A_74 = arith.constant 2 : i32
        %dma_start3A_75 = arith.constant 6400 : i32
        %dma_start3A_76 = tpu.memref_slice %arg4[%dma_start3A_75] : memref<51200xf32, #tpu.memory_space<vmem>> -> memref<3200xf32, #tpu.memory_space<vmem>>
        %dma_start3A_77 = tpu.memref_slice %arg2[%select_n3A, %dma_start3A_74, %select_n3A_51] : memref<26x16x100000xf32, #tpu.memory_space<hbm>> -> memref<1x1x3200xf32, #tpu.memory_space<hbm>>
        %dma_start3A_78 = tpu.memref_squeeze %dma_start3A_77 : memref<1x1x3200xf32, #tpu.memory_space<hbm>> -> memref<3200xf32, #tpu.memory_space<hbm>>
        %dma_start3A_79 = arith.constant 6400 : i32
        %dma_start3A_80 = tpu.memref_slice %arg4[%dma_start3A_79] : memref<51200xf32, #tpu.memory_space<vmem>> -> memref<3200xf32, #tpu.memory_space<vmem>>
        %dma_start3A_81 = tpu.memref_slice %arg2[%select_n3A, %dma_start3A_74, %select_n3A_51] : memref<26x16x100000xf32, #tpu.memory_space<hbm>> -> memref<1x1x3200xf32, #tpu.memory_space<hbm>>
        %dma_start3A_82 = tpu.memref_squeeze %dma_start3A_81 : memref<1x1x3200xf32, #tpu.memory_space<hbm>> -> memref<3200xf32, #tpu.memory_space<hbm>>
        tpu.enqueue_dma source(%dma_start3A_82 : memref<3200xf32, #tpu.memory_space<hbm>>) target(%dma_start3A_80 : memref<3200xf32, #tpu.memory_space<vmem>>) target_semaphore(%arg6 : memref<!tpu.dma_semaphore, #tpu.memory_space<semaphore_mem>>)
        %dma_start3A_83 = arith.constant 3 : i32
        %dma_start3A_84 = arith.constant 9600 : i32
        %dma_start3A_85 = tpu.memref_slice %arg4[%dma_start3A_84] : memref<51200xf32, #tpu.memory_space<vmem>> -> memref<3200xf32, #tpu.memory_space<vmem>>
        %dma_start3A_86 = tpu.memref_slice %arg2[%select_n3A, %dma_start3A_83, %select_n3A_51] : memref<26x16x100000xf32, #tpu.memory_space<hbm>> -> memref<1x1x3200xf32, #tpu.memory_space<hbm>>
        %dma_start3A_87 = tpu.memref_squeeze %dma_start3A_86 : memref<1x1x3200xf32, #tpu.memory_space<hbm>> -> memref<3200xf32, #tpu.memory_space<hbm>>
        %dma_start3A_88 = arith.constant 9600 : i32
        %dma_start3A_89 = tpu.memref_slice %arg4[%dma_start3A_88] : memref<51200xf32, #tpu.memory_space<vmem>> -> memref<3200xf32, #tpu.memory_space<vmem>>
        %dma_start3A_90 = tpu.memref_slice %arg2[%select_n3A, %dma_start3A_83, %select_n3A_51] : memref<26x16x100000xf32, #tpu.memory_space<hbm>> -> memref<1x1x3200xf32, #tpu.memory_space<hbm>>
        %dma_start3A_91 = tpu.memref_squeeze %dma_start3A_90 : memref<1x1x3200xf32, #tpu.memory_space<hbm>> -> memref<3200xf32, #tpu.memory_space<hbm>>
        tpu.enqueue_dma source(%dma_start3A_91 : memref<3200xf32, #tpu.memory_space<hbm>>) target(%dma_start3A_89 : memref<3200xf32, #tpu.memory_space<vmem>>) target_semaphore(%arg6 : memref<!tpu.dma_semaphore, #tpu.memory_space<semaphore_mem>>)
        %dma_start3A_92 = arith.constant 4 : i32
        %dma_start3A_93 = arith.constant 12800 : i32
        %dma_start3A_94 = tpu.memref_slice %arg4[%dma_start3A_93] : memref<51200xf32, #tpu.memory_space<vmem>> -> memref<3200xf32, #tpu.memory_space<vmem>>
        %dma_start3A_95 = tpu.memref_slice %arg2[%select_n3A, %dma_start3A_92, %select_n3A_51] : memref<26x16x100000xf32, #tpu.memory_space<hbm>> -> memref<1x1x3200xf32, #tpu.memory_space<hbm>>
        %dma_start3A_96 = tpu.memref_squeeze %dma_start3A_95 : memref<1x1x3200xf32, #tpu.memory_space<hbm>> -> memref<3200xf32, #tpu.memory_space<hbm>>
        %dma_start3A_97 = arith.constant 12800 : i32
        %dma_start3A_98 = tpu.memref_slice %arg4[%dma_start3A_97] : memref<51200xf32, #tpu.memory_space<vmem>> -> memref<3200xf32, #tpu.memory_space<vmem>>
        %dma_start3A_99 = tpu.memref_slice %arg2[%select_n3A, %dma_start3A_92, %select_n3A_51] : memref<26x16x100000xf32, #tpu.memory_space<hbm>> -> memref<1x1x3200xf32, #tpu.memory_space<hbm>>
        %dma_start3A_100 = tpu.memref_squeeze %dma_start3A_99 : memref<1x1x3200xf32, #tpu.memory_space<hbm>> -> memref<3200xf32, #tpu.memory_space<hbm>>
        tpu.enqueue_dma source(%dma_start3A_100 : memref<3200xf32, #tpu.memory_space<hbm>>) target(%dma_start3A_98 : memref<3200xf32, #tpu.memory_space<vmem>>) target_semaphore(%arg6 : memref<!tpu.dma_semaphore, #tpu.memory_space<semaphore_mem>>)
        %dma_start3A_101 = arith.constant 5 : i32
        %dma_start3A_102 = arith.constant 16000 : i32
        %dma_start3A_103 = tpu.memref_slice %arg4[%dma_start3A_102] : memref<51200xf32, #tpu.memory_space<vmem>> -> memref<3200xf32, #tpu.memory_space<vmem>>
        %dma_start3A_104 = tpu.memref_slice %arg2[%select_n3A, %dma_start3A_101, %select_n3A_51] : memref<26x16x100000xf32, #tpu.memory_space<hbm>> -> memref<1x1x3200xf32, #tpu.memory_space<hbm>>
        %dma_start3A_105 = tpu.memref_squeeze %dma_start3A_104 : memref<1x1x3200xf32, #tpu.memory_space<hbm>> -> memref<3200xf32, #tpu.memory_space<hbm>>
        %dma_start3A_106 = arith.constant 16000 : i32
        %dma_start3A_107 = tpu.memref_slice %arg4[%dma_start3A_106] : memref<51200xf32, #tpu.memory_space<vmem>> -> memref<3200xf32, #tpu.memory_space<vmem>>
        %dma_start3A_108 = tpu.memref_slice %arg2[%select_n3A, %dma_start3A_101, %select_n3A_51] : memref<26x16x100000xf32, #tpu.memory_space<hbm>> -> memref<1x1x3200xf32, #tpu.memory_space<hbm>>
        %dma_start3A_109 = tpu.memref_squeeze %dma_start3A_108 : memref<1x1x3200xf32, #tpu.memory_space<hbm>> -> memref<3200xf32, #tpu.memory_space<hbm>>
        tpu.enqueue_dma source(%dma_start3A_109 : memref<3200xf32, #tpu.memory_space<hbm>>) target(%dma_start3A_107 : memref<3200xf32, #tpu.memory_space<vmem>>) target_semaphore(%arg6 : memref<!tpu.dma_semaphore, #tpu.memory_space<semaphore_mem>>)
        %dma_start3A_110 = arith.constant 6 : i32
        %dma_start3A_111 = arith.constant 19200 : i32
        %dma_start3A_112 = tpu.memref_slice %arg4[%dma_start3A_111] : memref<51200xf32, #tpu.memory_space<vmem>> -> memref<3200xf32, #tpu.memory_space<vmem>>
        %dma_start3A_113 = tpu.memref_slice %arg2[%select_n3A, %dma_start3A_110, %select_n3A_51] : memref<26x16x100000xf32, #tpu.memory_space<hbm>> -> memref<1x1x3200xf32, #tpu.memory_space<hbm>>
        %dma_start3A_114 = tpu.memref_squeeze %dma_start3A_113 : memref<1x1x3200xf32, #tpu.memory_space<hbm>> -> memref<3200xf32, #tpu.memory_space<hbm>>
        %dma_start3A_115 = arith.constant 19200 : i32
        %dma_start3A_116 = tpu.memref_slice %arg4[%dma_start3A_115] : memref<51200xf32, #tpu.memory_space<vmem>> -> memref<3200xf32, #tpu.memory_space<vmem>>
        %dma_start3A_117 = tpu.memref_slice %arg2[%select_n3A, %dma_start3A_110, %select_n3A_51] : memref<26x16x100000xf32, #tpu.memory_space<hbm>> -> memref<1x1x3200xf32, #tpu.memory_space<hbm>>
        %dma_start3A_118 = tpu.memref_squeeze %dma_start3A_117 : memref<1x1x3200xf32, #tpu.memory_space<hbm>> -> memref<3200xf32, #tpu.memory_space<hbm>>
        tpu.enqueue_dma source(%dma_start3A_118 : memref<3200xf32, #tpu.memory_space<hbm>>) target(%dma_start3A_116 : memref<3200xf32, #tpu.memory_space<vmem>>) target_semaphore(%arg6 : memref<!tpu.dma_semaphore, #tpu.memory_space<semaphore_mem>>)
        %dma_start3A_119 = arith.constant 7 : i32
        %dma_start3A_120 = arith.constant 22400 : i32
        %dma_start3A_121 = tpu.memref_slice %arg4[%dma_start3A_120] : memref<51200xf32, #tpu.memory_space<vmem>> -> memref<3200xf32, #tpu.memory_space<vmem>>
        %dma_start3A_122 = tpu.memref_slice %arg2[%select_n3A, %dma_start3A_119, %select_n3A_51] : memref<26x16x100000xf32, #tpu.memory_space<hbm>> -> memref<1x1x3200xf32, #tpu.memory_space<hbm>>
        %dma_start3A_123 = tpu.memref_squeeze %dma_start3A_122 : memref<1x1x3200xf32, #tpu.memory_space<hbm>> -> memref<3200xf32, #tpu.memory_space<hbm>>
        %dma_start3A_124 = arith.constant 22400 : i32
        %dma_start3A_125 = tpu.memref_slice %arg4[%dma_start3A_124] : memref<51200xf32, #tpu.memory_space<vmem>> -> memref<3200xf32, #tpu.memory_space<vmem>>
        %dma_start3A_126 = tpu.memref_slice %arg2[%select_n3A, %dma_start3A_119, %select_n3A_51] : memref<26x16x100000xf32, #tpu.memory_space<hbm>> -> memref<1x1x3200xf32, #tpu.memory_space<hbm>>
        %dma_start3A_127 = tpu.memref_squeeze %dma_start3A_126 : memref<1x1x3200xf32, #tpu.memory_space<hbm>> -> memref<3200xf32, #tpu.memory_space<hbm>>
        tpu.enqueue_dma source(%dma_start3A_127 : memref<3200xf32, #tpu.memory_space<hbm>>) target(%dma_start3A_125 : memref<3200xf32, #tpu.memory_space<vmem>>) target_semaphore(%arg6 : memref<!tpu.dma_semaphore, #tpu.memory_space<semaphore_mem>>)
        %dma_start3A_128 = arith.constant 8 : i32
        %dma_start3A_129 = arith.constant 25600 : i32
        %dma_start3A_130 = tpu.memref_slice %arg4[%dma_start3A_129] : memref<51200xf32, #tpu.memory_space<vmem>> -> memref<3200xf32, #tpu.memory_space<vmem>>
        %dma_start3A_131 = tpu.memref_slice %arg2[%select_n3A, %dma_start3A_128, %select_n3A_51] : memref<26x16x100000xf32, #tpu.memory_space<hbm>> -> memref<1x1x3200xf32, #tpu.memory_space<hbm>>
        %dma_start3A_132 = tpu.memref_squeeze %dma_start3A_131 : memref<1x1x3200xf32, #tpu.memory_space<hbm>> -> memref<3200xf32, #tpu.memory_space<hbm>>
        %dma_start3A_133 = arith.constant 25600 : i32
        %dma_start3A_134 = tpu.memref_slice %arg4[%dma_start3A_133] : memref<51200xf32, #tpu.memory_space<vmem>> -> memref<3200xf32, #tpu.memory_space<vmem>>
        %dma_start3A_135 = tpu.memref_slice %arg2[%select_n3A, %dma_start3A_128, %select_n3A_51] : memref<26x16x100000xf32, #tpu.memory_space<hbm>> -> memref<1x1x3200xf32, #tpu.memory_space<hbm>>
        %dma_start3A_136 = tpu.memref_squeeze %dma_start3A_135 : memref<1x1x3200xf32, #tpu.memory_space<hbm>> -> memref<3200xf32, #tpu.memory_space<hbm>>
        tpu.enqueue_dma source(%dma_start3A_136 : memref<3200xf32, #tpu.memory_space<hbm>>) target(%dma_start3A_134 : memref<3200xf32, #tpu.memory_space<vmem>>) target_semaphore(%arg6 : memref<!tpu.dma_semaphore, #tpu.memory_space<semaphore_mem>>)
        %dma_start3A_137 = arith.constant 9 : i32
        %dma_start3A_138 = arith.constant 28800 : i32
        %dma_start3A_139 = tpu.memref_slice %arg4[%dma_start3A_138] : memref<51200xf32, #tpu.memory_space<vmem>> -> memref<3200xf32, #tpu.memory_space<vmem>>
        %dma_start3A_140 = tpu.memref_slice %arg2[%select_n3A, %dma_start3A_137, %select_n3A_51] : memref<26x16x100000xf32, #tpu.memory_space<hbm>> -> memref<1x1x3200xf32, #tpu.memory_space<hbm>>
        %dma_start3A_141 = tpu.memref_squeeze %dma_start3A_140 : memref<1x1x3200xf32, #tpu.memory_space<hbm>> -> memref<3200xf32, #tpu.memory_space<hbm>>
        %dma_start3A_142 = arith.constant 28800 : i32
        %dma_start3A_143 = tpu.memref_slice %arg4[%dma_start3A_142] : memref<51200xf32, #tpu.memory_space<vmem>> -> memref<3200xf32, #tpu.memory_space<vmem>>
        %dma_start3A_144 = tpu.memref_slice %arg2[%select_n3A, %dma_start3A_137, %select_n3A_51] : memref<26x16x100000xf32, #tpu.memory_space<hbm>> -> memref<1x1x3200xf32, #tpu.memory_space<hbm>>
        %dma_start3A_145 = tpu.memref_squeeze %dma_start3A_144 : memref<1x1x3200xf32, #tpu.memory_space<hbm>> -> memref<3200xf32, #tpu.memory_space<hbm>>
        tpu.enqueue_dma source(%dma_start3A_145 : memref<3200xf32, #tpu.memory_space<hbm>>) target(%dma_start3A_143 : memref<3200xf32, #tpu.memory_space<vmem>>) target_semaphore(%arg6 : memref<!tpu.dma_semaphore, #tpu.memory_space<semaphore_mem>>)
        %dma_start3A_146 = arith.constant 10 : i32
        %dma_start3A_147 = arith.constant 32000 : i32
        %dma_start3A_148 = tpu.memref_slice %arg4[%dma_start3A_147] : memref<51200xf32, #tpu.memory_space<vmem>> -> memref<3200xf32, #tpu.memory_space<vmem>>
        %dma_start3A_149 = tpu.memref_slice %arg2[%select_n3A, %dma_start3A_146, %select_n3A_51] : memref<26x16x100000xf32, #tpu.memory_space<hbm>> -> memref<1x1x3200xf32, #tpu.memory_space<hbm>>
        %dma_start3A_150 = tpu.memref_squeeze %dma_start3A_149 : memref<1x1x3200xf32, #tpu.memory_space<hbm>> -> memref<3200xf32, #tpu.memory_space<hbm>>
        %dma_start3A_151 = arith.constant 32000 : i32
        %dma_start3A_152 = tpu.memref_slice %arg4[%dma_start3A_151] : memref<51200xf32, #tpu.memory_space<vmem>> -> memref<3200xf32, #tpu.memory_space<vmem>>
        %dma_start3A_153 = tpu.memref_slice %arg2[%select_n3A, %dma_start3A_146, %select_n3A_51] : memref<26x16x100000xf32, #tpu.memory_space<hbm>> -> memref<1x1x3200xf32, #tpu.memory_space<hbm>>
        %dma_start3A_154 = tpu.memref_squeeze %dma_start3A_153 : memref<1x1x3200xf32, #tpu.memory_space<hbm>> -> memref<3200xf32, #tpu.memory_space<hbm>>
        tpu.enqueue_dma source(%dma_start3A_154 : memref<3200xf32, #tpu.memory_space<hbm>>) target(%dma_start3A_152 : memref<3200xf32, #tpu.memory_space<vmem>>) target_semaphore(%arg6 : memref<!tpu.dma_semaphore, #tpu.memory_space<semaphore_mem>>)
        %dma_start3A_155 = arith.constant 11 : i32
        %dma_start3A_156 = arith.constant 35200 : i32
        %dma_start3A_157 = tpu.memref_slice %arg4[%dma_start3A_156] : memref<51200xf32, #tpu.memory_space<vmem>> -> memref<3200xf32, #tpu.memory_space<vmem>>
        %dma_start3A_158 = tpu.memref_slice %arg2[%select_n3A, %dma_start3A_155, %select_n3A_51] : memref<26x16x100000xf32, #tpu.memory_space<hbm>> -> memref<1x1x3200xf32, #tpu.memory_space<hbm>>
        %dma_start3A_159 = tpu.memref_squeeze %dma_start3A_158 : memref<1x1x3200xf32, #tpu.memory_space<hbm>> -> memref<3200xf32, #tpu.memory_space<hbm>>
        %dma_start3A_160 = arith.constant 35200 : i32
        %dma_start3A_161 = tpu.memref_slice %arg4[%dma_start3A_160] : memref<51200xf32, #tpu.memory_space<vmem>> -> memref<3200xf32, #tpu.memory_space<vmem>>
        %dma_start3A_162 = tpu.memref_slice %arg2[%select_n3A, %dma_start3A_155, %select_n3A_51] : memref<26x16x100000xf32, #tpu.memory_space<hbm>> -> memref<1x1x3200xf32, #tpu.memory_space<hbm>>
        %dma_start3A_163 = tpu.memref_squeeze %dma_start3A_162 : memref<1x1x3200xf32, #tpu.memory_space<hbm>> -> memref<3200xf32, #tpu.memory_space<hbm>>
        tpu.enqueue_dma source(%dma_start3A_163 : memref<3200xf32, #tpu.memory_space<hbm>>) target(%dma_start3A_161 : memref<3200xf32, #tpu.memory_space<vmem>>) target_semaphore(%arg6 : memref<!tpu.dma_semaphore, #tpu.memory_space<semaphore_mem>>)
        %dma_start3A_164 = arith.constant 12 : i32
        %dma_start3A_165 = arith.constant 38400 : i32
        %dma_start3A_166 = tpu.memref_slice %arg4[%dma_start3A_165] : memref<51200xf32, #tpu.memory_space<vmem>> -> memref<3200xf32, #tpu.memory_space<vmem>>
        %dma_start3A_167 = tpu.memref_slice %arg2[%select_n3A, %dma_start3A_164, %select_n3A_51] : memref<26x16x100000xf32, #tpu.memory_space<hbm>> -> memref<1x1x3200xf32, #tpu.memory_space<hbm>>
        %dma_start3A_168 = tpu.memref_squeeze %dma_start3A_167 : memref<1x1x3200xf32, #tpu.memory_space<hbm>> -> memref<3200xf32, #tpu.memory_space<hbm>>
        %dma_start3A_169 = arith.constant 38400 : i32
        %dma_start3A_170 = tpu.memref_slice %arg4[%dma_start3A_169] : memref<51200xf32, #tpu.memory_space<vmem>> -> memref<3200xf32, #tpu.memory_space<vmem>>
        %dma_start3A_171 = tpu.memref_slice %arg2[%select_n3A, %dma_start3A_164, %select_n3A_51] : memref<26x16x100000xf32, #tpu.memory_space<hbm>> -> memref<1x1x3200xf32, #tpu.memory_space<hbm>>
        %dma_start3A_172 = tpu.memref_squeeze %dma_start3A_171 : memref<1x1x3200xf32, #tpu.memory_space<hbm>> -> memref<3200xf32, #tpu.memory_space<hbm>>
        tpu.enqueue_dma source(%dma_start3A_172 : memref<3200xf32, #tpu.memory_space<hbm>>) target(%dma_start3A_170 : memref<3200xf32, #tpu.memory_space<vmem>>) target_semaphore(%arg6 : memref<!tpu.dma_semaphore, #tpu.memory_space<semaphore_mem>>)
        %dma_start3A_173 = arith.constant 13 : i32
        %dma_start3A_174 = arith.constant 41600 : i32
        %dma_start3A_175 = tpu.memref_slice %arg4[%dma_start3A_174] : memref<51200xf32, #tpu.memory_space<vmem>> -> memref<3200xf32, #tpu.memory_space<vmem>>
        %dma_start3A_176 = tpu.memref_slice %arg2[%select_n3A, %dma_start3A_173, %select_n3A_51] : memref<26x16x100000xf32, #tpu.memory_space<hbm>> -> memref<1x1x3200xf32, #tpu.memory_space<hbm>>
        %dma_start3A_177 = tpu.memref_squeeze %dma_start3A_176 : memref<1x1x3200xf32, #tpu.memory_space<hbm>> -> memref<3200xf32, #tpu.memory_space<hbm>>
        %dma_start3A_178 = arith.constant 41600 : i32
        %dma_start3A_179 = tpu.memref_slice %arg4[%dma_start3A_178] : memref<51200xf32, #tpu.memory_space<vmem>> -> memref<3200xf32, #tpu.memory_space<vmem>>
        %dma_start3A_180 = tpu.memref_slice %arg2[%select_n3A, %dma_start3A_173, %select_n3A_51] : memref<26x16x100000xf32, #tpu.memory_space<hbm>> -> memref<1x1x3200xf32, #tpu.memory_space<hbm>>
        %dma_start3A_181 = tpu.memref_squeeze %dma_start3A_180 : memref<1x1x3200xf32, #tpu.memory_space<hbm>> -> memref<3200xf32, #tpu.memory_space<hbm>>
        tpu.enqueue_dma source(%dma_start3A_181 : memref<3200xf32, #tpu.memory_space<hbm>>) target(%dma_start3A_179 : memref<3200xf32, #tpu.memory_space<vmem>>) target_semaphore(%arg6 : memref<!tpu.dma_semaphore, #tpu.memory_space<semaphore_mem>>)
        %dma_start3A_182 = arith.constant 14 : i32
        %dma_start3A_183 = arith.constant 44800 : i32
        %dma_start3A_184 = tpu.memref_slice %arg4[%dma_start3A_183] : memref<51200xf32, #tpu.memory_space<vmem>> -> memref<3200xf32, #tpu.memory_space<vmem>>
        %dma_start3A_185 = tpu.memref_slice %arg2[%select_n3A, %dma_start3A_182, %select_n3A_51] : memref<26x16x100000xf32, #tpu.memory_space<hbm>> -> memref<1x1x3200xf32, #tpu.memory_space<hbm>>
        %dma_start3A_186 = tpu.memref_squeeze %dma_start3A_185 : memref<1x1x3200xf32, #tpu.memory_space<hbm>> -> memref<3200xf32, #tpu.memory_space<hbm>>
        %dma_start3A_187 = arith.constant 44800 : i32
        %dma_start3A_188 = tpu.memref_slice %arg4[%dma_start3A_187] : memref<51200xf32, #tpu.memory_space<vmem>> -> memref<3200xf32, #tpu.memory_space<vmem>>
        %dma_start3A_189 = tpu.memref_slice %arg2[%select_n3A, %dma_start3A_182, %select_n3A_51] : memref<26x16x100000xf32, #tpu.memory_space<hbm>> -> memref<1x1x3200xf32, #tpu.memory_space<hbm>>
        %dma_start3A_190 = tpu.memref_squeeze %dma_start3A_189 : memref<1x1x3200xf32, #tpu.memory_space<hbm>> -> memref<3200xf32, #tpu.memory_space<hbm>>
        tpu.enqueue_dma source(%dma_start3A_190 : memref<3200xf32, #tpu.memory_space<hbm>>) target(%dma_start3A_188 : memref<3200xf32, #tpu.memory_space<vmem>>) target_semaphore(%arg6 : memref<!tpu.dma_semaphore, #tpu.memory_space<semaphore_mem>>)
        %dma_start3A_191 = arith.constant 15 : i32
        %dma_start3A_192 = arith.constant 48000 : i32
        %dma_start3A_193 = tpu.memref_slice %arg4[%dma_start3A_192] : memref<51200xf32, #tpu.memory_space<vmem>> -> memref<3200xf32, #tpu.memory_space<vmem>>
        %dma_start3A_194 = tpu.memref_slice %arg2[%select_n3A, %dma_start3A_191, %select_n3A_51] : memref<26x16x100000xf32, #tpu.memory_space<hbm>> -> memref<1x1x3200xf32, #tpu.memory_space<hbm>>
        %dma_start3A_195 = tpu.memref_squeeze %dma_start3A_194 : memref<1x1x3200xf32, #tpu.memory_space<hbm>> -> memref<3200xf32, #tpu.memory_space<hbm>>
        %dma_start3A_196 = arith.constant 48000 : i32
        %dma_start3A_197 = tpu.memref_slice %arg4[%dma_start3A_196] : memref<51200xf32, #tpu.memory_space<vmem>> -> memref<3200xf32, #tpu.memory_space<vmem>>
        %dma_start3A_198 = tpu.memref_slice %arg2[%select_n3A, %dma_start3A_191, %select_n3A_51] : memref<26x16x100000xf32, #tpu.memory_space<hbm>> -> memref<1x1x3200xf32, #tpu.memory_space<hbm>>
        %dma_start3A_199 = tpu.memref_squeeze %dma_start3A_198 : memref<1x1x3200xf32, #tpu.memory_space<hbm>> -> memref<3200xf32, #tpu.memory_space<hbm>>
        tpu.enqueue_dma source(%dma_start3A_199 : memref<3200xf32, #tpu.memory_space<hbm>>) target(%dma_start3A_197 : memref<3200xf32, #tpu.memory_space<vmem>>) target_semaphore(%arg6 : memref<!tpu.dma_semaphore, #tpu.memory_space<semaphore_mem>>)
        %dma_wait3A = arith.constant 0 : i32
        %dma_wait3A_200 = arith.constant 0 : i32
        %dma_wait3A_201 = tpu.memref_slice %arg4[%dma_wait3A_200] : memref<51200xf32, #tpu.memory_space<vmem>> -> memref<3200xf32, #tpu.memory_space<vmem>>
        %dma_wait3A_202 = tpu.memref_slice %arg2[%select_n3A, %dma_wait3A, %select_n3A_51] : memref<26x16x100000xf32, #tpu.memory_space<hbm>> -> memref<1x1x3200xf32, #tpu.memory_space<hbm>>
        %dma_wait3A_203 = tpu.memref_squeeze %dma_wait3A_202 : memref<1x1x3200xf32, #tpu.memory_space<hbm>> -> memref<3200xf32, #tpu.memory_space<hbm>>
        %dma_wait3A_204 = arith.constant 0 : i32
        %dma_wait3A_205 = tpu.memref_slice %arg4[%dma_wait3A_204] : memref<51200xf32, #tpu.memory_space<vmem>> -> memref<3200xf32, #tpu.memory_space<vmem>>
        %dma_wait3A_206 = tpu.memref_slice %arg2[%select_n3A, %dma_wait3A, %select_n3A_51] : memref<26x16x100000xf32, #tpu.memory_space<hbm>> -> memref<1x1x3200xf32, #tpu.memory_space<hbm>>
        %dma_wait3A_207 = tpu.memref_squeeze %dma_wait3A_206 : memref<1x1x3200xf32, #tpu.memory_space<hbm>> -> memref<3200xf32, #tpu.memory_space<hbm>>
        tpu.wait_dma2 semaphore(%arg6 : memref<!tpu.dma_semaphore, #tpu.memory_space<semaphore_mem>>) src(%dma_wait3A_207 : memref<3200xf32, #tpu.memory_space<hbm>>) dst(%dma_wait3A_205 : memref<3200xf32, #tpu.memory_space<vmem>>)
        %dma_wait3A_208 = arith.constant 1 : i32
        %dma_wait3A_209 = arith.constant 3200 : i32
        %dma_wait3A_210 = tpu.memref_slice %arg4[%dma_wait3A_209] : memref<51200xf32, #tpu.memory_space<vmem>> -> memref<3200xf32, #tpu.memory_space<vmem>>
        %dma_wait3A_211 = tpu.memref_slice %arg2[%select_n3A, %dma_wait3A_208, %select_n3A_51] : memref<26x16x100000xf32, #tpu.memory_space<hbm>> -> memref<1x1x3200xf32, #tpu.memory_space<hbm>>
        %dma_wait3A_212 = tpu.memref_squeeze %dma_wait3A_211 : memref<1x1x3200xf32, #tpu.memory_space<hbm>> -> memref<3200xf32, #tpu.memory_space<hbm>>
        %dma_wait3A_213 = arith.constant 3200 : i32
        %dma_wait3A_214 = tpu.memref_slice %arg4[%dma_wait3A_213] : memref<51200xf32, #tpu.memory_space<vmem>> -> memref<3200xf32, #tpu.memory_space<vmem>>
        %dma_wait3A_215 = tpu.memref_slice %arg2[%select_n3A, %dma_wait3A_208, %select_n3A_51] : memref<26x16x100000xf32, #tpu.memory_space<hbm>> -> memref<1x1x3200xf32, #tpu.memory_space<hbm>>
        %dma_wait3A_216 = tpu.memref_squeeze %dma_wait3A_215 : memref<1x1x3200xf32, #tpu.memory_space<hbm>> -> memref<3200xf32, #tpu.memory_space<hbm>>
        tpu.wait_dma2 semaphore(%arg6 : memref<!tpu.dma_semaphore, #tpu.memory_space<semaphore_mem>>) src(%dma_wait3A_216 : memref<3200xf32, #tpu.memory_space<hbm>>) dst(%dma_wait3A_214 : memref<3200xf32, #tpu.memory_space<vmem>>)
        %dma_wait3A_217 = arith.constant 2 : i32
        %dma_wait3A_218 = arith.constant 6400 : i32
        %dma_wait3A_219 = tpu.memref_slice %arg4[%dma_wait3A_218] : memref<51200xf32, #tpu.memory_space<vmem>> -> memref<3200xf32, #tpu.memory_space<vmem>>
        %dma_wait3A_220 = tpu.memref_slice %arg2[%select_n3A, %dma_wait3A_217, %select_n3A_51] : memref<26x16x100000xf32, #tpu.memory_space<hbm>> -> memref<1x1x3200xf32, #tpu.memory_space<hbm>>
        %dma_wait3A_221 = tpu.memref_squeeze %dma_wait3A_220 : memref<1x1x3200xf32, #tpu.memory_space<hbm>> -> memref<3200xf32, #tpu.memory_space<hbm>>
        %dma_wait3A_222 = arith.constant 6400 : i32
        %dma_wait3A_223 = tpu.memref_slice %arg4[%dma_wait3A_222] : memref<51200xf32, #tpu.memory_space<vmem>> -> memref<3200xf32, #tpu.memory_space<vmem>>
        %dma_wait3A_224 = tpu.memref_slice %arg2[%select_n3A, %dma_wait3A_217, %select_n3A_51] : memref<26x16x100000xf32, #tpu.memory_space<hbm>> -> memref<1x1x3200xf32, #tpu.memory_space<hbm>>
        %dma_wait3A_225 = tpu.memref_squeeze %dma_wait3A_224 : memref<1x1x3200xf32, #tpu.memory_space<hbm>> -> memref<3200xf32, #tpu.memory_space<hbm>>
        tpu.wait_dma2 semaphore(%arg6 : memref<!tpu.dma_semaphore, #tpu.memory_space<semaphore_mem>>) src(%dma_wait3A_225 : memref<3200xf32, #tpu.memory_space<hbm>>) dst(%dma_wait3A_223 : memref<3200xf32, #tpu.memory_space<vmem>>)
        %dma_wait3A_226 = arith.constant 3 : i32
        %dma_wait3A_227 = arith.constant 9600 : i32
        %dma_wait3A_228 = tpu.memref_slice %arg4[%dma_wait3A_227] : memref<51200xf32, #tpu.memory_space<vmem>> -> memref<3200xf32, #tpu.memory_space<vmem>>
        %dma_wait3A_229 = tpu.memref_slice %arg2[%select_n3A, %dma_wait3A_226, %select_n3A_51] : memref<26x16x100000xf32, #tpu.memory_space<hbm>> -> memref<1x1x3200xf32, #tpu.memory_space<hbm>>
        %dma_wait3A_230 = tpu.memref_squeeze %dma_wait3A_229 : memref<1x1x3200xf32, #tpu.memory_space<hbm>> -> memref<3200xf32, #tpu.memory_space<hbm>>
        %dma_wait3A_231 = arith.constant 9600 : i32
        %dma_wait3A_232 = tpu.memref_slice %arg4[%dma_wait3A_231] : memref<51200xf32, #tpu.memory_space<vmem>> -> memref<3200xf32, #tpu.memory_space<vmem>>
        %dma_wait3A_233 = tpu.memref_slice %arg2[%select_n3A, %dma_wait3A_226, %select_n3A_51] : memref<26x16x100000xf32, #tpu.memory_space<hbm>> -> memref<1x1x3200xf32, #tpu.memory_space<hbm>>
        %dma_wait3A_234 = tpu.memref_squeeze %dma_wait3A_233 : memref<1x1x3200xf32, #tpu.memory_space<hbm>> -> memref<3200xf32, #tpu.memory_space<hbm>>
        tpu.wait_dma2 semaphore(%arg6 : memref<!tpu.dma_semaphore, #tpu.memory_space<semaphore_mem>>) src(%dma_wait3A_234 : memref<3200xf32, #tpu.memory_space<hbm>>) dst(%dma_wait3A_232 : memref<3200xf32, #tpu.memory_space<vmem>>)
        %dma_wait3A_235 = arith.constant 4 : i32
        %dma_wait3A_236 = arith.constant 12800 : i32
        %dma_wait3A_237 = tpu.memref_slice %arg4[%dma_wait3A_236] : memref<51200xf32, #tpu.memory_space<vmem>> -> memref<3200xf32, #tpu.memory_space<vmem>>
        %dma_wait3A_238 = tpu.memref_slice %arg2[%select_n3A, %dma_wait3A_235, %select_n3A_51] : memref<26x16x100000xf32, #tpu.memory_space<hbm>> -> memref<1x1x3200xf32, #tpu.memory_space<hbm>>
        %dma_wait3A_239 = tpu.memref_squeeze %dma_wait3A_238 : memref<1x1x3200xf32, #tpu.memory_space<hbm>> -> memref<3200xf32, #tpu.memory_space<hbm>>
        %dma_wait3A_240 = arith.constant 12800 : i32
        %dma_wait3A_241 = tpu.memref_slice %arg4[%dma_wait3A_240] : memref<51200xf32, #tpu.memory_space<vmem>> -> memref<3200xf32, #tpu.memory_space<vmem>>
        %dma_wait3A_242 = tpu.memref_slice %arg2[%select_n3A, %dma_wait3A_235, %select_n3A_51] : memref<26x16x100000xf32, #tpu.memory_space<hbm>> -> memref<1x1x3200xf32, #tpu.memory_space<hbm>>
        %dma_wait3A_243 = tpu.memref_squeeze %dma_wait3A_242 : memref<1x1x3200xf32, #tpu.memory_space<hbm>> -> memref<3200xf32, #tpu.memory_space<hbm>>
        tpu.wait_dma2 semaphore(%arg6 : memref<!tpu.dma_semaphore, #tpu.memory_space<semaphore_mem>>) src(%dma_wait3A_243 : memref<3200xf32, #tpu.memory_space<hbm>>) dst(%dma_wait3A_241 : memref<3200xf32, #tpu.memory_space<vmem>>)
        %dma_wait3A_244 = arith.constant 5 : i32
        %dma_wait3A_245 = arith.constant 16000 : i32
        %dma_wait3A_246 = tpu.memref_slice %arg4[%dma_wait3A_245] : memref<51200xf32, #tpu.memory_space<vmem>> -> memref<3200xf32, #tpu.memory_space<vmem>>
        %dma_wait3A_247 = tpu.memref_slice %arg2[%select_n3A, %dma_wait3A_244, %select_n3A_51] : memref<26x16x100000xf32, #tpu.memory_space<hbm>> -> memref<1x1x3200xf32, #tpu.memory_space<hbm>>
        %dma_wait3A_248 = tpu.memref_squeeze %dma_wait3A_247 : memref<1x1x3200xf32, #tpu.memory_space<hbm>> -> memref<3200xf32, #tpu.memory_space<hbm>>
        %dma_wait3A_249 = arith.constant 16000 : i32
        %dma_wait3A_250 = tpu.memref_slice %arg4[%dma_wait3A_249] : memref<51200xf32, #tpu.memory_space<vmem>> -> memref<3200xf32, #tpu.memory_space<vmem>>
        %dma_wait3A_251 = tpu.memref_slice %arg2[%select_n3A, %dma_wait3A_244, %select_n3A_51] : memref<26x16x100000xf32, #tpu.memory_space<hbm>> -> memref<1x1x3200xf32, #tpu.memory_space<hbm>>
        %dma_wait3A_252 = tpu.memref_squeeze %dma_wait3A_251 : memref<1x1x3200xf32, #tpu.memory_space<hbm>> -> memref<3200xf32, #tpu.memory_space<hbm>>
        tpu.wait_dma2 semaphore(%arg6 : memref<!tpu.dma_semaphore, #tpu.memory_space<semaphore_mem>>) src(%dma_wait3A_252 : memref<3200xf32, #tpu.memory_space<hbm>>) dst(%dma_wait3A_250 : memref<3200xf32, #tpu.memory_space<vmem>>)
        %dma_wait3A_253 = arith.constant 6 : i32
        %dma_wait3A_254 = arith.constant 19200 : i32
        %dma_wait3A_255 = tpu.memref_slice %arg4[%dma_wait3A_254] : memref<51200xf32, #tpu.memory_space<vmem>> -> memref<3200xf32, #tpu.memory_space<vmem>>
        %dma_wait3A_256 = tpu.memref_slice %arg2[%select_n3A, %dma_wait3A_253, %select_n3A_51] : memref<26x16x100000xf32, #tpu.memory_space<hbm>> -> memref<1x1x3200xf32, #tpu.memory_space<hbm>>
        %dma_wait3A_257 = tpu.memref_squeeze %dma_wait3A_256 : memref<1x1x3200xf32, #tpu.memory_space<hbm>> -> memref<3200xf32, #tpu.memory_space<hbm>>
        %dma_wait3A_258 = arith.constant 19200 : i32
        %dma_wait3A_259 = tpu.memref_slice %arg4[%dma_wait3A_258] : memref<51200xf32, #tpu.memory_space<vmem>> -> memref<3200xf32, #tpu.memory_space<vmem>>
        %dma_wait3A_260 = tpu.memref_slice %arg2[%select_n3A, %dma_wait3A_253, %select_n3A_51] : memref<26x16x100000xf32, #tpu.memory_space<hbm>> -> memref<1x1x3200xf32, #tpu.memory_space<hbm>>
        %dma_wait3A_261 = tpu.memref_squeeze %dma_wait3A_260 : memref<1x1x3200xf32, #tpu.memory_space<hbm>> -> memref<3200xf32, #tpu.memory_space<hbm>>
        tpu.wait_dma2 semaphore(%arg6 : memref<!tpu.dma_semaphore, #tpu.memory_space<semaphore_mem>>) src(%dma_wait3A_261 : memref<3200xf32, #tpu.memory_space<hbm>>) dst(%dma_wait3A_259 : memref<3200xf32, #tpu.memory_space<vmem>>)
        %dma_wait3A_262 = arith.constant 7 : i32
        %dma_wait3A_263 = arith.constant 22400 : i32
        %dma_wait3A_264 = tpu.memref_slice %arg4[%dma_wait3A_263] : memref<51200xf32, #tpu.memory_space<vmem>> -> memref<3200xf32, #tpu.memory_space<vmem>>
        %dma_wait3A_265 = tpu.memref_slice %arg2[%select_n3A, %dma_wait3A_262, %select_n3A_51] : memref<26x16x100000xf32, #tpu.memory_space<hbm>> -> memref<1x1x3200xf32, #tpu.memory_space<hbm>>
        %dma_wait3A_266 = tpu.memref_squeeze %dma_wait3A_265 : memref<1x1x3200xf32, #tpu.memory_space<hbm>> -> memref<3200xf32, #tpu.memory_space<hbm>>
        %dma_wait3A_267 = arith.constant 22400 : i32
        %dma_wait3A_268 = tpu.memref_slice %arg4[%dma_wait3A_267] : memref<51200xf32, #tpu.memory_space<vmem>> -> memref<3200xf32, #tpu.memory_space<vmem>>
        %dma_wait3A_269 = tpu.memref_slice %arg2[%select_n3A, %dma_wait3A_262, %select_n3A_51] : memref<26x16x100000xf32, #tpu.memory_space<hbm>> -> memref<1x1x3200xf32, #tpu.memory_space<hbm>>
        %dma_wait3A_270 = tpu.memref_squeeze %dma_wait3A_269 : memref<1x1x3200xf32, #tpu.memory_space<hbm>> -> memref<3200xf32, #tpu.memory_space<hbm>>
        tpu.wait_dma2 semaphore(%arg6 : memref<!tpu.dma_semaphore, #tpu.memory_space<semaphore_mem>>) src(%dma_wait3A_270 : memref<3200xf32, #tpu.memory_space<hbm>>) dst(%dma_wait3A_268 : memref<3200xf32, #tpu.memory_space<vmem>>)
        %dma_wait3A_271 = arith.constant 8 : i32
        %dma_wait3A_272 = arith.constant 25600 : i32
        %dma_wait3A_273 = tpu.memref_slice %arg4[%dma_wait3A_272] : memref<51200xf32, #tpu.memory_space<vmem>> -> memref<3200xf32, #tpu.memory_space<vmem>>
        %dma_wait3A_274 = tpu.memref_slice %arg2[%select_n3A, %dma_wait3A_271, %select_n3A_51] : memref<26x16x100000xf32, #tpu.memory_space<hbm>> -> memref<1x1x3200xf32, #tpu.memory_space<hbm>>
        %dma_wait3A_275 = tpu.memref_squeeze %dma_wait3A_274 : memref<1x1x3200xf32, #tpu.memory_space<hbm>> -> memref<3200xf32, #tpu.memory_space<hbm>>
        %dma_wait3A_276 = arith.constant 25600 : i32
        %dma_wait3A_277 = tpu.memref_slice %arg4[%dma_wait3A_276] : memref<51200xf32, #tpu.memory_space<vmem>> -> memref<3200xf32, #tpu.memory_space<vmem>>
        %dma_wait3A_278 = tpu.memref_slice %arg2[%select_n3A, %dma_wait3A_271, %select_n3A_51] : memref<26x16x100000xf32, #tpu.memory_space<hbm>> -> memref<1x1x3200xf32, #tpu.memory_space<hbm>>
        %dma_wait3A_279 = tpu.memref_squeeze %dma_wait3A_278 : memref<1x1x3200xf32, #tpu.memory_space<hbm>> -> memref<3200xf32, #tpu.memory_space<hbm>>
        tpu.wait_dma2 semaphore(%arg6 : memref<!tpu.dma_semaphore, #tpu.memory_space<semaphore_mem>>) src(%dma_wait3A_279 : memref<3200xf32, #tpu.memory_space<hbm>>) dst(%dma_wait3A_277 : memref<3200xf32, #tpu.memory_space<vmem>>)
        %dma_wait3A_280 = arith.constant 9 : i32
        %dma_wait3A_281 = arith.constant 28800 : i32
        %dma_wait3A_282 = tpu.memref_slice %arg4[%dma_wait3A_281] : memref<51200xf32, #tpu.memory_space<vmem>> -> memref<3200xf32, #tpu.memory_space<vmem>>
        %dma_wait3A_283 = tpu.memref_slice %arg2[%select_n3A, %dma_wait3A_280, %select_n3A_51] : memref<26x16x100000xf32, #tpu.memory_space<hbm>> -> memref<1x1x3200xf32, #tpu.memory_space<hbm>>
        %dma_wait3A_284 = tpu.memref_squeeze %dma_wait3A_283 : memref<1x1x3200xf32, #tpu.memory_space<hbm>> -> memref<3200xf32, #tpu.memory_space<hbm>>
        %dma_wait3A_285 = arith.constant 28800 : i32
        %dma_wait3A_286 = tpu.memref_slice %arg4[%dma_wait3A_285] : memref<51200xf32, #tpu.memory_space<vmem>> -> memref<3200xf32, #tpu.memory_space<vmem>>
        %dma_wait3A_287 = tpu.memref_slice %arg2[%select_n3A, %dma_wait3A_280, %select_n3A_51] : memref<26x16x100000xf32, #tpu.memory_space<hbm>> -> memref<1x1x3200xf32, #tpu.memory_space<hbm>>
        %dma_wait3A_288 = tpu.memref_squeeze %dma_wait3A_287 : memref<1x1x3200xf32, #tpu.memory_space<hbm>> -> memref<3200xf32, #tpu.memory_space<hbm>>
        tpu.wait_dma2 semaphore(%arg6 : memref<!tpu.dma_semaphore, #tpu.memory_space<semaphore_mem>>) src(%dma_wait3A_288 : memref<3200xf32, #tpu.memory_space<hbm>>) dst(%dma_wait3A_286 : memref<3200xf32, #tpu.memory_space<vmem>>)
        %dma_wait3A_289 = arith.constant 10 : i32
        %dma_wait3A_290 = arith.constant 32000 : i32
        %dma_wait3A_291 = tpu.memref_slice %arg4[%dma_wait3A_290] : memref<51200xf32, #tpu.memory_space<vmem>> -> memref<3200xf32, #tpu.memory_space<vmem>>
        %dma_wait3A_292 = tpu.memref_slice %arg2[%select_n3A, %dma_wait3A_289, %select_n3A_51] : memref<26x16x100000xf32, #tpu.memory_space<hbm>> -> memref<1x1x3200xf32, #tpu.memory_space<hbm>>
        %dma_wait3A_293 = tpu.memref_squeeze %dma_wait3A_292 : memref<1x1x3200xf32, #tpu.memory_space<hbm>> -> memref<3200xf32, #tpu.memory_space<hbm>>
        %dma_wait3A_294 = arith.constant 32000 : i32
        %dma_wait3A_295 = tpu.memref_slice %arg4[%dma_wait3A_294] : memref<51200xf32, #tpu.memory_space<vmem>> -> memref<3200xf32, #tpu.memory_space<vmem>>
        %dma_wait3A_296 = tpu.memref_slice %arg2[%select_n3A, %dma_wait3A_289, %select_n3A_51] : memref<26x16x100000xf32, #tpu.memory_space<hbm>> -> memref<1x1x3200xf32, #tpu.memory_space<hbm>>
        %dma_wait3A_297 = tpu.memref_squeeze %dma_wait3A_296 : memref<1x1x3200xf32, #tpu.memory_space<hbm>> -> memref<3200xf32, #tpu.memory_space<hbm>>
        tpu.wait_dma2 semaphore(%arg6 : memref<!tpu.dma_semaphore, #tpu.memory_space<semaphore_mem>>) src(%dma_wait3A_297 : memref<3200xf32, #tpu.memory_space<hbm>>) dst(%dma_wait3A_295 : memref<3200xf32, #tpu.memory_space<vmem>>)
        %dma_wait3A_298 = arith.constant 11 : i32
        %dma_wait3A_299 = arith.constant 35200 : i32
        %dma_wait3A_300 = tpu.memref_slice %arg4[%dma_wait3A_299] : memref<51200xf32, #tpu.memory_space<vmem>> -> memref<3200xf32, #tpu.memory_space<vmem>>
        %dma_wait3A_301 = tpu.memref_slice %arg2[%select_n3A, %dma_wait3A_298, %select_n3A_51] : memref<26x16x100000xf32, #tpu.memory_space<hbm>> -> memref<1x1x3200xf32, #tpu.memory_space<hbm>>
        %dma_wait3A_302 = tpu.memref_squeeze %dma_wait3A_301 : memref<1x1x3200xf32, #tpu.memory_space<hbm>> -> memref<3200xf32, #tpu.memory_space<hbm>>
        %dma_wait3A_303 = arith.constant 35200 : i32
        %dma_wait3A_304 = tpu.memref_slice %arg4[%dma_wait3A_303] : memref<51200xf32, #tpu.memory_space<vmem>> -> memref<3200xf32, #tpu.memory_space<vmem>>
        %dma_wait3A_305 = tpu.memref_slice %arg2[%select_n3A, %dma_wait3A_298, %select_n3A_51] : memref<26x16x100000xf32, #tpu.memory_space<hbm>> -> memref<1x1x3200xf32, #tpu.memory_space<hbm>>
        %dma_wait3A_306 = tpu.memref_squeeze %dma_wait3A_305 : memref<1x1x3200xf32, #tpu.memory_space<hbm>> -> memref<3200xf32, #tpu.memory_space<hbm>>
        tpu.wait_dma2 semaphore(%arg6 : memref<!tpu.dma_semaphore, #tpu.memory_space<semaphore_mem>>) src(%dma_wait3A_306 : memref<3200xf32, #tpu.memory_space<hbm>>) dst(%dma_wait3A_304 : memref<3200xf32, #tpu.memory_space<vmem>>)
        %dma_wait3A_307 = arith.constant 12 : i32
        %dma_wait3A_308 = arith.constant 38400 : i32
        %dma_wait3A_309 = tpu.memref_slice %arg4[%dma_wait3A_308] : memref<51200xf32, #tpu.memory_space<vmem>> -> memref<3200xf32, #tpu.memory_space<vmem>>
        %dma_wait3A_310 = tpu.memref_slice %arg2[%select_n3A, %dma_wait3A_307, %select_n3A_51] : memref<26x16x100000xf32, #tpu.memory_space<hbm>> -> memref<1x1x3200xf32, #tpu.memory_space<hbm>>
        %dma_wait3A_311 = tpu.memref_squeeze %dma_wait3A_310 : memref<1x1x3200xf32, #tpu.memory_space<hbm>> -> memref<3200xf32, #tpu.memory_space<hbm>>
        %dma_wait3A_312 = arith.constant 38400 : i32
        %dma_wait3A_313 = tpu.memref_slice %arg4[%dma_wait3A_312] : memref<51200xf32, #tpu.memory_space<vmem>> -> memref<3200xf32, #tpu.memory_space<vmem>>
        %dma_wait3A_314 = tpu.memref_slice %arg2[%select_n3A, %dma_wait3A_307, %select_n3A_51] : memref<26x16x100000xf32, #tpu.memory_space<hbm>> -> memref<1x1x3200xf32, #tpu.memory_space<hbm>>
        %dma_wait3A_315 = tpu.memref_squeeze %dma_wait3A_314 : memref<1x1x3200xf32, #tpu.memory_space<hbm>> -> memref<3200xf32, #tpu.memory_space<hbm>>
        tpu.wait_dma2 semaphore(%arg6 : memref<!tpu.dma_semaphore, #tpu.memory_space<semaphore_mem>>) src(%dma_wait3A_315 : memref<3200xf32, #tpu.memory_space<hbm>>) dst(%dma_wait3A_313 : memref<3200xf32, #tpu.memory_space<vmem>>)
        %dma_wait3A_316 = arith.constant 13 : i32
        %dma_wait3A_317 = arith.constant 41600 : i32
        %dma_wait3A_318 = tpu.memref_slice %arg4[%dma_wait3A_317] : memref<51200xf32, #tpu.memory_space<vmem>> -> memref<3200xf32, #tpu.memory_space<vmem>>
        %dma_wait3A_319 = tpu.memref_slice %arg2[%select_n3A, %dma_wait3A_316, %select_n3A_51] : memref<26x16x100000xf32, #tpu.memory_space<hbm>> -> memref<1x1x3200xf32, #tpu.memory_space<hbm>>
        %dma_wait3A_320 = tpu.memref_squeeze %dma_wait3A_319 : memref<1x1x3200xf32, #tpu.memory_space<hbm>> -> memref<3200xf32, #tpu.memory_space<hbm>>
        %dma_wait3A_321 = arith.constant 41600 : i32
        %dma_wait3A_322 = tpu.memref_slice %arg4[%dma_wait3A_321] : memref<51200xf32, #tpu.memory_space<vmem>> -> memref<3200xf32, #tpu.memory_space<vmem>>
        %dma_wait3A_323 = tpu.memref_slice %arg2[%select_n3A, %dma_wait3A_316, %select_n3A_51] : memref<26x16x100000xf32, #tpu.memory_space<hbm>> -> memref<1x1x3200xf32, #tpu.memory_space<hbm>>
        %dma_wait3A_324 = tpu.memref_squeeze %dma_wait3A_323 : memref<1x1x3200xf32, #tpu.memory_space<hbm>> -> memref<3200xf32, #tpu.memory_space<hbm>>
        tpu.wait_dma2 semaphore(%arg6 : memref<!tpu.dma_semaphore, #tpu.memory_space<semaphore_mem>>) src(%dma_wait3A_324 : memref<3200xf32, #tpu.memory_space<hbm>>) dst(%dma_wait3A_322 : memref<3200xf32, #tpu.memory_space<vmem>>)
        %dma_wait3A_325 = arith.constant 14 : i32
        %dma_wait3A_326 = arith.constant 44800 : i32
        %dma_wait3A_327 = tpu.memref_slice %arg4[%dma_wait3A_326] : memref<51200xf32, #tpu.memory_space<vmem>> -> memref<3200xf32, #tpu.memory_space<vmem>>
        %dma_wait3A_328 = tpu.memref_slice %arg2[%select_n3A, %dma_wait3A_325, %select_n3A_51] : memref<26x16x100000xf32, #tpu.memory_space<hbm>> -> memref<1x1x3200xf32, #tpu.memory_space<hbm>>
        %dma_wait3A_329 = tpu.memref_squeeze %dma_wait3A_328 : memref<1x1x3200xf32, #tpu.memory_space<hbm>> -> memref<3200xf32, #tpu.memory_space<hbm>>
        %dma_wait3A_330 = arith.constant 44800 : i32
        %dma_wait3A_331 = tpu.memref_slice %arg4[%dma_wait3A_330] : memref<51200xf32, #tpu.memory_space<vmem>> -> memref<3200xf32, #tpu.memory_space<vmem>>
        %dma_wait3A_332 = tpu.memref_slice %arg2[%select_n3A, %dma_wait3A_325, %select_n3A_51] : memref<26x16x100000xf32, #tpu.memory_space<hbm>> -> memref<1x1x3200xf32, #tpu.memory_space<hbm>>
        %dma_wait3A_333 = tpu.memref_squeeze %dma_wait3A_332 : memref<1x1x3200xf32, #tpu.memory_space<hbm>> -> memref<3200xf32, #tpu.memory_space<hbm>>
        tpu.wait_dma2 semaphore(%arg6 : memref<!tpu.dma_semaphore, #tpu.memory_space<semaphore_mem>>) src(%dma_wait3A_333 : memref<3200xf32, #tpu.memory_space<hbm>>) dst(%dma_wait3A_331 : memref<3200xf32, #tpu.memory_space<vmem>>)
        %dma_wait3A_334 = arith.constant 15 : i32
        %dma_wait3A_335 = arith.constant 48000 : i32
        %dma_wait3A_336 = tpu.memref_slice %arg4[%dma_wait3A_335] : memref<51200xf32, #tpu.memory_space<vmem>> -> memref<3200xf32, #tpu.memory_space<vmem>>
        %dma_wait3A_337 = tpu.memref_slice %arg2[%select_n3A, %dma_wait3A_334, %select_n3A_51] : memref<26x16x100000xf32, #tpu.memory_space<hbm>> -> memref<1x1x3200xf32, #tpu.memory_space<hbm>>
        %dma_wait3A_338 = tpu.memref_squeeze %dma_wait3A_337 : memref<1x1x3200xf32, #tpu.memory_space<hbm>> -> memref<3200xf32, #tpu.memory_space<hbm>>
        %dma_wait3A_339 = arith.constant 48000 : i32
        %dma_wait3A_340 = tpu.memref_slice %arg4[%dma_wait3A_339] : memref<51200xf32, #tpu.memory_space<vmem>> -> memref<3200xf32, #tpu.memory_space<vmem>>
        %dma_wait3A_341 = tpu.memref_slice %arg2[%select_n3A, %dma_wait3A_334, %select_n3A_51] : memref<26x16x100000xf32, #tpu.memory_space<hbm>> -> memref<1x1x3200xf32, #tpu.memory_space<hbm>>
        %dma_wait3A_342 = tpu.memref_squeeze %dma_wait3A_341 : memref<1x1x3200xf32, #tpu.memory_space<hbm>> -> memref<3200xf32, #tpu.memory_space<hbm>>
        tpu.wait_dma2 semaphore(%arg6 : memref<!tpu.dma_semaphore, #tpu.memory_space<semaphore_mem>>) src(%dma_wait3A_342 : memref<3200xf32, #tpu.memory_space<hbm>>) dst(%dma_wait3A_340 : memref<3200xf32, #tpu.memory_space<vmem>>)
        "tpu.region"() ({
          %run_scoped3A = tpu.sem_alloc : memref<!tpu.dma_semaphore, #tpu.memory_space<semaphore_mem>>
          %dma_start3A_343 = arith.constant 0 : i32
          %dma_start3A_344 = tpu.memref_slice %arg3[%select_n3A, %select_n3A_51, %dma_start3A_343] : memref<26x100000x16xf32, #tpu.memory_space<hbm>> -> memref<1x3200x16xf32, #tpu.memory_space<hbm>>
          %dma_start3A_345 = tpu.memref_squeeze %dma_start3A_344 : memref<1x3200x16xf32, #tpu.memory_space<hbm>> -> memref<3200x16xf32, #tpu.memory_space<hbm>>
          %dma_start3A_346 = arith.constant 0 : i32
          %dma_start3A_347 = tpu.memref_slice %arg3[%select_n3A, %select_n3A_51, %dma_start3A_346] : memref<26x100000x16xf32, #tpu.memory_space<hbm>> -> memref<1x3200x16xf32, #tpu.memory_space<hbm>>
          %dma_start3A_348 = tpu.memref_squeeze %dma_start3A_347 : memref<1x3200x16xf32, #tpu.memory_space<hbm>> -> memref<3200x16xf32, #tpu.memory_space<hbm>>
          tpu.enqueue_dma source(%arg5 : memref<3200x16xf32, #tpu.memory_space<vmem>>) target(%dma_start3A_348 : memref<3200x16xf32, #tpu.memory_space<hbm>>) target_semaphore(%run_scoped3A : memref<!tpu.dma_semaphore, #tpu.memory_space<semaphore_mem>>)
          %dma_wait3A_349 = arith.constant 0 : i32
          %dma_wait3A_350 = tpu.memref_slice %arg3[%select_n3A, %select_n3A_51, %dma_wait3A_349] : memref<26x100000x16xf32, #tpu.memory_space<hbm>> -> memref<1x3200x16xf32, #tpu.memory_space<hbm>>
          %dma_wait3A_351 = tpu.memref_squeeze %dma_wait3A_350 : memref<1x3200x16xf32, #tpu.memory_space<hbm>> -> memref<3200x16xf32, #tpu.memory_space<hbm>>
          %dma_wait3A_352 = arith.constant 0 : i32
          %dma_wait3A_353 = tpu.memref_slice %arg3[%select_n3A, %select_n3A_51, %dma_wait3A_352] : memref<26x100000x16xf32, #tpu.memory_space<hbm>> -> memref<1x3200x16xf32, #tpu.memory_space<hbm>>
          %dma_wait3A_354 = tpu.memref_squeeze %dma_wait3A_353 : memref<1x3200x16xf32, #tpu.memory_space<hbm>> -> memref<3200x16xf32, #tpu.memory_space<hbm>>
          tpu.wait_dma2 semaphore(%run_scoped3A : memref<!tpu.dma_semaphore, #tpu.memory_space<semaphore_mem>>) src(%arg5 : memref<3200x16xf32, #tpu.memory_space<vmem>>) dst(%dma_wait3A_354 : memref<3200x16xf32, #tpu.memory_space<hbm>>)
          tpu.yield
        }) : () -> ()
      } else {
      }
      %convert_element_type3A_54 = arith.extui %eq3A_47 : i1 to i32
      %cond3A_55 = arith.constant 0 : i32
      %cond3A_56 = arith.cmpi ne, %convert_element_type3A_54, %cond3A_55 : i32
      scf.if %cond3A_56 {
        %dma_start3A = arith.constant 0 : i32
        %dma_start3A_57 = arith.constant 0 : i32
        %dma_start3A_58 = tpu.memref_slice %arg4[%dma_start3A_57] : memref<51200xf32, #tpu.memory_space<vmem>> -> memref<800xf32, #tpu.memory_space<vmem>>
        %dma_start3A_59 = tpu.memref_slice %arg2[%select_n3A, %dma_start3A, %select_n3A_51] : memref<26x16x100000xf32, #tpu.memory_space<hbm>> -> memref<1x1x800xf32, #tpu.memory_space<hbm>>
        %dma_start3A_60 = tpu.memref_squeeze %dma_start3A_59 : memref<1x1x800xf32, #tpu.memory_space<hbm>> -> memref<800xf32, #tpu.memory_space<hbm>>
        %dma_start3A_61 = arith.constant 0 : i32
        %dma_start3A_62 = tpu.memref_slice %arg4[%dma_start3A_61] : memref<51200xf32, #tpu.memory_space<vmem>> -> memref<800xf32, #tpu.memory_space<vmem>>
        %dma_start3A_63 = tpu.memref_slice %arg2[%select_n3A, %dma_start3A, %select_n3A_51] : memref<26x16x100000xf32, #tpu.memory_space<hbm>> -> memref<1x1x800xf32, #tpu.memory_space<hbm>>
        %dma_start3A_64 = tpu.memref_squeeze %dma_start3A_63 : memref<1x1x800xf32, #tpu.memory_space<hbm>> -> memref<800xf32, #tpu.memory_space<hbm>>
        tpu.enqueue_dma source(%dma_start3A_64 : memref<800xf32, #tpu.memory_space<hbm>>) target(%dma_start3A_62 : memref<800xf32, #tpu.memory_space<vmem>>) target_semaphore(%arg6 : memref<!tpu.dma_semaphore, #tpu.memory_space<semaphore_mem>>)
        %dma_start3A_65 = arith.constant 1 : i32
        %dma_start3A_66 = arith.constant 3200 : i32
        %dma_start3A_67 = tpu.memref_slice %arg4[%dma_start3A_66] : memref<51200xf32, #tpu.memory_space<vmem>> -> memref<800xf32, #tpu.memory_space<vmem>>
        %dma_start3A_68 = tpu.memref_slice %arg2[%select_n3A, %dma_start3A_65, %select_n3A_51] : memref<26x16x100000xf32, #tpu.memory_space<hbm>> -> memref<1x1x800xf32, #tpu.memory_space<hbm>>
        %dma_start3A_69 = tpu.memref_squeeze %dma_start3A_68 : memref<1x1x800xf32, #tpu.memory_space<hbm>> -> memref<800xf32, #tpu.memory_space<hbm>>
        %dma_start3A_70 = arith.constant 3200 : i32
        %dma_start3A_71 = tpu.memref_slice %arg4[%dma_start3A_70] : memref<51200xf32, #tpu.memory_space<vmem>> -> memref<800xf32, #tpu.memory_space<vmem>>
        %dma_start3A_72 = tpu.memref_slice %arg2[%select_n3A, %dma_start3A_65, %select_n3A_51] : memref<26x16x100000xf32, #tpu.memory_space<hbm>> -> memref<1x1x800xf32, #tpu.memory_space<hbm>>
        %dma_start3A_73 = tpu.memref_squeeze %dma_start3A_72 : memref<1x1x800xf32, #tpu.memory_space<hbm>> -> memref<800xf32, #tpu.memory_space<hbm>>
        tpu.enqueue_dma source(%dma_start3A_73 : memref<800xf32, #tpu.memory_space<hbm>>) target(%dma_start3A_71 : memref<800xf32, #tpu.memory_space<vmem>>) target_semaphore(%arg6 : memref<!tpu.dma_semaphore, #tpu.memory_space<semaphore_mem>>)
        %dma_start3A_74 = arith.constant 2 : i32
        %dma_start3A_75 = arith.constant 6400 : i32
        %dma_start3A_76 = tpu.memref_slice %arg4[%dma_start3A_75] : memref<51200xf32, #tpu.memory_space<vmem>> -> memref<800xf32, #tpu.memory_space<vmem>>
        %dma_start3A_77 = tpu.memref_slice %arg2[%select_n3A, %dma_start3A_74, %select_n3A_51] : memref<26x16x100000xf32, #tpu.memory_space<hbm>> -> memref<1x1x800xf32, #tpu.memory_space<hbm>>
        %dma_start3A_78 = tpu.memref_squeeze %dma_start3A_77 : memref<1x1x800xf32, #tpu.memory_space<hbm>> -> memref<800xf32, #tpu.memory_space<hbm>>
        %dma_start3A_79 = arith.constant 6400 : i32
        %dma_start3A_80 = tpu.memref_slice %arg4[%dma_start3A_79] : memref<51200xf32, #tpu.memory_space<vmem>> -> memref<800xf32, #tpu.memory_space<vmem>>
        %dma_start3A_81 = tpu.memref_slice %arg2[%select_n3A, %dma_start3A_74, %select_n3A_51] : memref<26x16x100000xf32, #tpu.memory_space<hbm>> -> memref<1x1x800xf32, #tpu.memory_space<hbm>>
        %dma_start3A_82 = tpu.memref_squeeze %dma_start3A_81 : memref<1x1x800xf32, #tpu.memory_space<hbm>> -> memref<800xf32, #tpu.memory_space<hbm>>
        tpu.enqueue_dma source(%dma_start3A_82 : memref<800xf32, #tpu.memory_space<hbm>>) target(%dma_start3A_80 : memref<800xf32, #tpu.memory_space<vmem>>) target_semaphore(%arg6 : memref<!tpu.dma_semaphore, #tpu.memory_space<semaphore_mem>>)
        %dma_start3A_83 = arith.constant 3 : i32
        %dma_start3A_84 = arith.constant 9600 : i32
        %dma_start3A_85 = tpu.memref_slice %arg4[%dma_start3A_84] : memref<51200xf32, #tpu.memory_space<vmem>> -> memref<800xf32, #tpu.memory_space<vmem>>
        %dma_start3A_86 = tpu.memref_slice %arg2[%select_n3A, %dma_start3A_83, %select_n3A_51] : memref<26x16x100000xf32, #tpu.memory_space<hbm>> -> memref<1x1x800xf32, #tpu.memory_space<hbm>>
        %dma_start3A_87 = tpu.memref_squeeze %dma_start3A_86 : memref<1x1x800xf32, #tpu.memory_space<hbm>> -> memref<800xf32, #tpu.memory_space<hbm>>
        %dma_start3A_88 = arith.constant 9600 : i32
        %dma_start3A_89 = tpu.memref_slice %arg4[%dma_start3A_88] : memref<51200xf32, #tpu.memory_space<vmem>> -> memref<800xf32, #tpu.memory_space<vmem>>
        %dma_start3A_90 = tpu.memref_slice %arg2[%select_n3A, %dma_start3A_83, %select_n3A_51] : memref<26x16x100000xf32, #tpu.memory_space<hbm>> -> memref<1x1x800xf32, #tpu.memory_space<hbm>>
        %dma_start3A_91 = tpu.memref_squeeze %dma_start3A_90 : memref<1x1x800xf32, #tpu.memory_space<hbm>> -> memref<800xf32, #tpu.memory_space<hbm>>
        tpu.enqueue_dma source(%dma_start3A_91 : memref<800xf32, #tpu.memory_space<hbm>>) target(%dma_start3A_89 : memref<800xf32, #tpu.memory_space<vmem>>) target_semaphore(%arg6 : memref<!tpu.dma_semaphore, #tpu.memory_space<semaphore_mem>>)
        %dma_start3A_92 = arith.constant 4 : i32
        %dma_start3A_93 = arith.constant 12800 : i32
        %dma_start3A_94 = tpu.memref_slice %arg4[%dma_start3A_93] : memref<51200xf32, #tpu.memory_space<vmem>> -> memref<800xf32, #tpu.memory_space<vmem>>
        %dma_start3A_95 = tpu.memref_slice %arg2[%select_n3A, %dma_start3A_92, %select_n3A_51] : memref<26x16x100000xf32, #tpu.memory_space<hbm>> -> memref<1x1x800xf32, #tpu.memory_space<hbm>>
        %dma_start3A_96 = tpu.memref_squeeze %dma_start3A_95 : memref<1x1x800xf32, #tpu.memory_space<hbm>> -> memref<800xf32, #tpu.memory_space<hbm>>
        %dma_start3A_97 = arith.constant 12800 : i32
        %dma_start3A_98 = tpu.memref_slice %arg4[%dma_start3A_97] : memref<51200xf32, #tpu.memory_space<vmem>> -> memref<800xf32, #tpu.memory_space<vmem>>
        %dma_start3A_99 = tpu.memref_slice %arg2[%select_n3A, %dma_start3A_92, %select_n3A_51] : memref<26x16x100000xf32, #tpu.memory_space<hbm>> -> memref<1x1x800xf32, #tpu.memory_space<hbm>>
        %dma_start3A_100 = tpu.memref_squeeze %dma_start3A_99 : memref<1x1x800xf32, #tpu.memory_space<hbm>> -> memref<800xf32, #tpu.memory_space<hbm>>
        tpu.enqueue_dma source(%dma_start3A_100 : memref<800xf32, #tpu.memory_space<hbm>>) target(%dma_start3A_98 : memref<800xf32, #tpu.memory_space<vmem>>) target_semaphore(%arg6 : memref<!tpu.dma_semaphore, #tpu.memory_space<semaphore_mem>>)
        %dma_start3A_101 = arith.constant 5 : i32
        %dma_start3A_102 = arith.constant 16000 : i32
        %dma_start3A_103 = tpu.memref_slice %arg4[%dma_start3A_102] : memref<51200xf32, #tpu.memory_space<vmem>> -> memref<800xf32, #tpu.memory_space<vmem>>
        %dma_start3A_104 = tpu.memref_slice %arg2[%select_n3A, %dma_start3A_101, %select_n3A_51] : memref<26x16x100000xf32, #tpu.memory_space<hbm>> -> memref<1x1x800xf32, #tpu.memory_space<hbm>>
        %dma_start3A_105 = tpu.memref_squeeze %dma_start3A_104 : memref<1x1x800xf32, #tpu.memory_space<hbm>> -> memref<800xf32, #tpu.memory_space<hbm>>
        %dma_start3A_106 = arith.constant 16000 : i32
        %dma_start3A_107 = tpu.memref_slice %arg4[%dma_start3A_106] : memref<51200xf32, #tpu.memory_space<vmem>> -> memref<800xf32, #tpu.memory_space<vmem>>
        %dma_start3A_108 = tpu.memref_slice %arg2[%select_n3A, %dma_start3A_101, %select_n3A_51] : memref<26x16x100000xf32, #tpu.memory_space<hbm>> -> memref<1x1x800xf32, #tpu.memory_space<hbm>>
        %dma_start3A_109 = tpu.memref_squeeze %dma_start3A_108 : memref<1x1x800xf32, #tpu.memory_space<hbm>> -> memref<800xf32, #tpu.memory_space<hbm>>
        tpu.enqueue_dma source(%dma_start3A_109 : memref<800xf32, #tpu.memory_space<hbm>>) target(%dma_start3A_107 : memref<800xf32, #tpu.memory_space<vmem>>) target_semaphore(%arg6 : memref<!tpu.dma_semaphore, #tpu.memory_space<semaphore_mem>>)
        %dma_start3A_110 = arith.constant 6 : i32
        %dma_start3A_111 = arith.constant 19200 : i32
        %dma_start3A_112 = tpu.memref_slice %arg4[%dma_start3A_111] : memref<51200xf32, #tpu.memory_space<vmem>> -> memref<800xf32, #tpu.memory_space<vmem>>
        %dma_start3A_113 = tpu.memref_slice %arg2[%select_n3A, %dma_start3A_110, %select_n3A_51] : memref<26x16x100000xf32, #tpu.memory_space<hbm>> -> memref<1x1x800xf32, #tpu.memory_space<hbm>>
        %dma_start3A_114 = tpu.memref_squeeze %dma_start3A_113 : memref<1x1x800xf32, #tpu.memory_space<hbm>> -> memref<800xf32, #tpu.memory_space<hbm>>
        %dma_start3A_115 = arith.constant 19200 : i32
        %dma_start3A_116 = tpu.memref_slice %arg4[%dma_start3A_115] : memref<51200xf32, #tpu.memory_space<vmem>> -> memref<800xf32, #tpu.memory_space<vmem>>
        %dma_start3A_117 = tpu.memref_slice %arg2[%select_n3A, %dma_start3A_110, %select_n3A_51] : memref<26x16x100000xf32, #tpu.memory_space<hbm>> -> memref<1x1x800xf32, #tpu.memory_space<hbm>>
        %dma_start3A_118 = tpu.memref_squeeze %dma_start3A_117 : memref<1x1x800xf32, #tpu.memory_space<hbm>> -> memref<800xf32, #tpu.memory_space<hbm>>
        tpu.enqueue_dma source(%dma_start3A_118 : memref<800xf32, #tpu.memory_space<hbm>>) target(%dma_start3A_116 : memref<800xf32, #tpu.memory_space<vmem>>) target_semaphore(%arg6 : memref<!tpu.dma_semaphore, #tpu.memory_space<semaphore_mem>>)
        %dma_start3A_119 = arith.constant 7 : i32
        %dma_start3A_120 = arith.constant 22400 : i32
        %dma_start3A_121 = tpu.memref_slice %arg4[%dma_start3A_120] : memref<51200xf32, #tpu.memory_space<vmem>> -> memref<800xf32, #tpu.memory_space<vmem>>
        %dma_start3A_122 = tpu.memref_slice %arg2[%select_n3A, %dma_start3A_119, %select_n3A_51] : memref<26x16x100000xf32, #tpu.memory_space<hbm>> -> memref<1x1x800xf32, #tpu.memory_space<hbm>>
        %dma_start3A_123 = tpu.memref_squeeze %dma_start3A_122 : memref<1x1x800xf32, #tpu.memory_space<hbm>> -> memref<800xf32, #tpu.memory_space<hbm>>
        %dma_start3A_124 = arith.constant 22400 : i32
        %dma_start3A_125 = tpu.memref_slice %arg4[%dma_start3A_124] : memref<51200xf32, #tpu.memory_space<vmem>> -> memref<800xf32, #tpu.memory_space<vmem>>
        %dma_start3A_126 = tpu.memref_slice %arg2[%select_n3A, %dma_start3A_119, %select_n3A_51] : memref<26x16x100000xf32, #tpu.memory_space<hbm>> -> memref<1x1x800xf32, #tpu.memory_space<hbm>>
        %dma_start3A_127 = tpu.memref_squeeze %dma_start3A_126 : memref<1x1x800xf32, #tpu.memory_space<hbm>> -> memref<800xf32, #tpu.memory_space<hbm>>
        tpu.enqueue_dma source(%dma_start3A_127 : memref<800xf32, #tpu.memory_space<hbm>>) target(%dma_start3A_125 : memref<800xf32, #tpu.memory_space<vmem>>) target_semaphore(%arg6 : memref<!tpu.dma_semaphore, #tpu.memory_space<semaphore_mem>>)
        %dma_start3A_128 = arith.constant 8 : i32
        %dma_start3A_129 = arith.constant 25600 : i32
        %dma_start3A_130 = tpu.memref_slice %arg4[%dma_start3A_129] : memref<51200xf32, #tpu.memory_space<vmem>> -> memref<800xf32, #tpu.memory_space<vmem>>
        %dma_start3A_131 = tpu.memref_slice %arg2[%select_n3A, %dma_start3A_128, %select_n3A_51] : memref<26x16x100000xf32, #tpu.memory_space<hbm>> -> memref<1x1x800xf32, #tpu.memory_space<hbm>>
        %dma_start3A_132 = tpu.memref_squeeze %dma_start3A_131 : memref<1x1x800xf32, #tpu.memory_space<hbm>> -> memref<800xf32, #tpu.memory_space<hbm>>
        %dma_start3A_133 = arith.constant 25600 : i32
        %dma_start3A_134 = tpu.memref_slice %arg4[%dma_start3A_133] : memref<51200xf32, #tpu.memory_space<vmem>> -> memref<800xf32, #tpu.memory_space<vmem>>
        %dma_start3A_135 = tpu.memref_slice %arg2[%select_n3A, %dma_start3A_128, %select_n3A_51] : memref<26x16x100000xf32, #tpu.memory_space<hbm>> -> memref<1x1x800xf32, #tpu.memory_space<hbm>>
        %dma_start3A_136 = tpu.memref_squeeze %dma_start3A_135 : memref<1x1x800xf32, #tpu.memory_space<hbm>> -> memref<800xf32, #tpu.memory_space<hbm>>
        tpu.enqueue_dma source(%dma_start3A_136 : memref<800xf32, #tpu.memory_space<hbm>>) target(%dma_start3A_134 : memref<800xf32, #tpu.memory_space<vmem>>) target_semaphore(%arg6 : memref<!tpu.dma_semaphore, #tpu.memory_space<semaphore_mem>>)
        %dma_start3A_137 = arith.constant 9 : i32
        %dma_start3A_138 = arith.constant 28800 : i32
        %dma_start3A_139 = tpu.memref_slice %arg4[%dma_start3A_138] : memref<51200xf32, #tpu.memory_space<vmem>> -> memref<800xf32, #tpu.memory_space<vmem>>
        %dma_start3A_140 = tpu.memref_slice %arg2[%select_n3A, %dma_start3A_137, %select_n3A_51] : memref<26x16x100000xf32, #tpu.memory_space<hbm>> -> memref<1x1x800xf32, #tpu.memory_space<hbm>>
        %dma_start3A_141 = tpu.memref_squeeze %dma_start3A_140 : memref<1x1x800xf32, #tpu.memory_space<hbm>> -> memref<800xf32, #tpu.memory_space<hbm>>
        %dma_start3A_142 = arith.constant 28800 : i32
        %dma_start3A_143 = tpu.memref_slice %arg4[%dma_start3A_142] : memref<51200xf32, #tpu.memory_space<vmem>> -> memref<800xf32, #tpu.memory_space<vmem>>
        %dma_start3A_144 = tpu.memref_slice %arg2[%select_n3A, %dma_start3A_137, %select_n3A_51] : memref<26x16x100000xf32, #tpu.memory_space<hbm>> -> memref<1x1x800xf32, #tpu.memory_space<hbm>>
        %dma_start3A_145 = tpu.memref_squeeze %dma_start3A_144 : memref<1x1x800xf32, #tpu.memory_space<hbm>> -> memref<800xf32, #tpu.memory_space<hbm>>
        tpu.enqueue_dma source(%dma_start3A_145 : memref<800xf32, #tpu.memory_space<hbm>>) target(%dma_start3A_143 : memref<800xf32, #tpu.memory_space<vmem>>) target_semaphore(%arg6 : memref<!tpu.dma_semaphore, #tpu.memory_space<semaphore_mem>>)
        %dma_start3A_146 = arith.constant 10 : i32
        %dma_start3A_147 = arith.constant 32000 : i32
        %dma_start3A_148 = tpu.memref_slice %arg4[%dma_start3A_147] : memref<51200xf32, #tpu.memory_space<vmem>> -> memref<800xf32, #tpu.memory_space<vmem>>
        %dma_start3A_149 = tpu.memref_slice %arg2[%select_n3A, %dma_start3A_146, %select_n3A_51] : memref<26x16x100000xf32, #tpu.memory_space<hbm>> -> memref<1x1x800xf32, #tpu.memory_space<hbm>>
        %dma_start3A_150 = tpu.memref_squeeze %dma_start3A_149 : memref<1x1x800xf32, #tpu.memory_space<hbm>> -> memref<800xf32, #tpu.memory_space<hbm>>
        %dma_start3A_151 = arith.constant 32000 : i32
        %dma_start3A_152 = tpu.memref_slice %arg4[%dma_start3A_151] : memref<51200xf32, #tpu.memory_space<vmem>> -> memref<800xf32, #tpu.memory_space<vmem>>
        %dma_start3A_153 = tpu.memref_slice %arg2[%select_n3A, %dma_start3A_146, %select_n3A_51] : memref<26x16x100000xf32, #tpu.memory_space<hbm>> -> memref<1x1x800xf32, #tpu.memory_space<hbm>>
        %dma_start3A_154 = tpu.memref_squeeze %dma_start3A_153 : memref<1x1x800xf32, #tpu.memory_space<hbm>> -> memref<800xf32, #tpu.memory_space<hbm>>
        tpu.enqueue_dma source(%dma_start3A_154 : memref<800xf32, #tpu.memory_space<hbm>>) target(%dma_start3A_152 : memref<800xf32, #tpu.memory_space<vmem>>) target_semaphore(%arg6 : memref<!tpu.dma_semaphore, #tpu.memory_space<semaphore_mem>>)
        %dma_start3A_155 = arith.constant 11 : i32
        %dma_start3A_156 = arith.constant 35200 : i32
        %dma_start3A_157 = tpu.memref_slice %arg4[%dma_start3A_156] : memref<51200xf32, #tpu.memory_space<vmem>> -> memref<800xf32, #tpu.memory_space<vmem>>
        %dma_start3A_158 = tpu.memref_slice %arg2[%select_n3A, %dma_start3A_155, %select_n3A_51] : memref<26x16x100000xf32, #tpu.memory_space<hbm>> -> memref<1x1x800xf32, #tpu.memory_space<hbm>>
        %dma_start3A_159 = tpu.memref_squeeze %dma_start3A_158 : memref<1x1x800xf32, #tpu.memory_space<hbm>> -> memref<800xf32, #tpu.memory_space<hbm>>
        %dma_start3A_160 = arith.constant 35200 : i32
        %dma_start3A_161 = tpu.memref_slice %arg4[%dma_start3A_160] : memref<51200xf32, #tpu.memory_space<vmem>> -> memref<800xf32, #tpu.memory_space<vmem>>
        %dma_start3A_162 = tpu.memref_slice %arg2[%select_n3A, %dma_start3A_155, %select_n3A_51] : memref<26x16x100000xf32, #tpu.memory_space<hbm>> -> memref<1x1x800xf32, #tpu.memory_space<hbm>>
        %dma_start3A_163 = tpu.memref_squeeze %dma_start3A_162 : memref<1x1x800xf32, #tpu.memory_space<hbm>> -> memref<800xf32, #tpu.memory_space<hbm>>
        tpu.enqueue_dma source(%dma_start3A_163 : memref<800xf32, #tpu.memory_space<hbm>>) target(%dma_start3A_161 : memref<800xf32, #tpu.memory_space<vmem>>) target_semaphore(%arg6 : memref<!tpu.dma_semaphore, #tpu.memory_space<semaphore_mem>>)
        %dma_start3A_164 = arith.constant 12 : i32
        %dma_start3A_165 = arith.constant 38400 : i32
        %dma_start3A_166 = tpu.memref_slice %arg4[%dma_start3A_165] : memref<51200xf32, #tpu.memory_space<vmem>> -> memref<800xf32, #tpu.memory_space<vmem>>
        %dma_start3A_167 = tpu.memref_slice %arg2[%select_n3A, %dma_start3A_164, %select_n3A_51] : memref<26x16x100000xf32, #tpu.memory_space<hbm>> -> memref<1x1x800xf32, #tpu.memory_space<hbm>>
        %dma_start3A_168 = tpu.memref_squeeze %dma_start3A_167 : memref<1x1x800xf32, #tpu.memory_space<hbm>> -> memref<800xf32, #tpu.memory_space<hbm>>
        %dma_start3A_169 = arith.constant 38400 : i32
        %dma_start3A_170 = tpu.memref_slice %arg4[%dma_start3A_169] : memref<51200xf32, #tpu.memory_space<vmem>> -> memref<800xf32, #tpu.memory_space<vmem>>
        %dma_start3A_171 = tpu.memref_slice %arg2[%select_n3A, %dma_start3A_164, %select_n3A_51] : memref<26x16x100000xf32, #tpu.memory_space<hbm>> -> memref<1x1x800xf32, #tpu.memory_space<hbm>>
        %dma_start3A_172 = tpu.memref_squeeze %dma_start3A_171 : memref<1x1x800xf32, #tpu.memory_space<hbm>> -> memref<800xf32, #tpu.memory_space<hbm>>
        tpu.enqueue_dma source(%dma_start3A_172 : memref<800xf32, #tpu.memory_space<hbm>>) target(%dma_start3A_170 : memref<800xf32, #tpu.memory_space<vmem>>) target_semaphore(%arg6 : memref<!tpu.dma_semaphore, #tpu.memory_space<semaphore_mem>>)
        %dma_start3A_173 = arith.constant 13 : i32
        %dma_start3A_174 = arith.constant 41600 : i32
        %dma_start3A_175 = tpu.memref_slice %arg4[%dma_start3A_174] : memref<51200xf32, #tpu.memory_space<vmem>> -> memref<800xf32, #tpu.memory_space<vmem>>
        %dma_start3A_176 = tpu.memref_slice %arg2[%select_n3A, %dma_start3A_173, %select_n3A_51] : memref<26x16x100000xf32, #tpu.memory_space<hbm>> -> memref<1x1x800xf32, #tpu.memory_space<hbm>>
        %dma_start3A_177 = tpu.memref_squeeze %dma_start3A_176 : memref<1x1x800xf32, #tpu.memory_space<hbm>> -> memref<800xf32, #tpu.memory_space<hbm>>
        %dma_start3A_178 = arith.constant 41600 : i32
        %dma_start3A_179 = tpu.memref_slice %arg4[%dma_start3A_178] : memref<51200xf32, #tpu.memory_space<vmem>> -> memref<800xf32, #tpu.memory_space<vmem>>
        %dma_start3A_180 = tpu.memref_slice %arg2[%select_n3A, %dma_start3A_173, %select_n3A_51] : memref<26x16x100000xf32, #tpu.memory_space<hbm>> -> memref<1x1x800xf32, #tpu.memory_space<hbm>>
        %dma_start3A_181 = tpu.memref_squeeze %dma_start3A_180 : memref<1x1x800xf32, #tpu.memory_space<hbm>> -> memref<800xf32, #tpu.memory_space<hbm>>
        tpu.enqueue_dma source(%dma_start3A_181 : memref<800xf32, #tpu.memory_space<hbm>>) target(%dma_start3A_179 : memref<800xf32, #tpu.memory_space<vmem>>) target_semaphore(%arg6 : memref<!tpu.dma_semaphore, #tpu.memory_space<semaphore_mem>>)
        %dma_start3A_182 = arith.constant 14 : i32
        %dma_start3A_183 = arith.constant 44800 : i32
        %dma_start3A_184 = tpu.memref_slice %arg4[%dma_start3A_183] : memref<51200xf32, #tpu.memory_space<vmem>> -> memref<800xf32, #tpu.memory_space<vmem>>
        %dma_start3A_185 = tpu.memref_slice %arg2[%select_n3A, %dma_start3A_182, %select_n3A_51] : memref<26x16x100000xf32, #tpu.memory_space<hbm>> -> memref<1x1x800xf32, #tpu.memory_space<hbm>>
        %dma_start3A_186 = tpu.memref_squeeze %dma_start3A_185 : memref<1x1x800xf32, #tpu.memory_space<hbm>> -> memref<800xf32, #tpu.memory_space<hbm>>
        %dma_start3A_187 = arith.constant 44800 : i32
        %dma_start3A_188 = tpu.memref_slice %arg4[%dma_start3A_187] : memref<51200xf32, #tpu.memory_space<vmem>> -> memref<800xf32, #tpu.memory_space<vmem>>
        %dma_start3A_189 = tpu.memref_slice %arg2[%select_n3A, %dma_start3A_182, %select_n3A_51] : memref<26x16x100000xf32, #tpu.memory_space<hbm>> -> memref<1x1x800xf32, #tpu.memory_space<hbm>>
        %dma_start3A_190 = tpu.memref_squeeze %dma_start3A_189 : memref<1x1x800xf32, #tpu.memory_space<hbm>> -> memref<800xf32, #tpu.memory_space<hbm>>
        tpu.enqueue_dma source(%dma_start3A_190 : memref<800xf32, #tpu.memory_space<hbm>>) target(%dma_start3A_188 : memref<800xf32, #tpu.memory_space<vmem>>) target_semaphore(%arg6 : memref<!tpu.dma_semaphore, #tpu.memory_space<semaphore_mem>>)
        %dma_start3A_191 = arith.constant 15 : i32
        %dma_start3A_192 = arith.constant 48000 : i32
        %dma_start3A_193 = tpu.memref_slice %arg4[%dma_start3A_192] : memref<51200xf32, #tpu.memory_space<vmem>> -> memref<800xf32, #tpu.memory_space<vmem>>
        %dma_start3A_194 = tpu.memref_slice %arg2[%select_n3A, %dma_start3A_191, %select_n3A_51] : memref<26x16x100000xf32, #tpu.memory_space<hbm>> -> memref<1x1x800xf32, #tpu.memory_space<hbm>>
        %dma_start3A_195 = tpu.memref_squeeze %dma_start3A_194 : memref<1x1x800xf32, #tpu.memory_space<hbm>> -> memref<800xf32, #tpu.memory_space<hbm>>
        %dma_start3A_196 = arith.constant 48000 : i32
        %dma_start3A_197 = tpu.memref_slice %arg4[%dma_start3A_196] : memref<51200xf32, #tpu.memory_space<vmem>> -> memref<800xf32, #tpu.memory_space<vmem>>
        %dma_start3A_198 = tpu.memref_slice %arg2[%select_n3A, %dma_start3A_191, %select_n3A_51] : memref<26x16x100000xf32, #tpu.memory_space<hbm>> -> memref<1x1x800xf32, #tpu.memory_space<hbm>>
        %dma_start3A_199 = tpu.memref_squeeze %dma_start3A_198 : memref<1x1x800xf32, #tpu.memory_space<hbm>> -> memref<800xf32, #tpu.memory_space<hbm>>
        tpu.enqueue_dma source(%dma_start3A_199 : memref<800xf32, #tpu.memory_space<hbm>>) target(%dma_start3A_197 : memref<800xf32, #tpu.memory_space<vmem>>) target_semaphore(%arg6 : memref<!tpu.dma_semaphore, #tpu.memory_space<semaphore_mem>>)
        %dma_wait3A = arith.constant 0 : i32
        %dma_wait3A_200 = arith.constant 0 : i32
        %dma_wait3A_201 = tpu.memref_slice %arg4[%dma_wait3A_200] : memref<51200xf32, #tpu.memory_space<vmem>> -> memref<800xf32, #tpu.memory_space<vmem>>
        %dma_wait3A_202 = tpu.memref_slice %arg2[%select_n3A, %dma_wait3A, %select_n3A_51] : memref<26x16x100000xf32, #tpu.memory_space<hbm>> -> memref<1x1x800xf32, #tpu.memory_space<hbm>>
        %dma_wait3A_203 = tpu.memref_squeeze %dma_wait3A_202 : memref<1x1x800xf32, #tpu.memory_space<hbm>> -> memref<800xf32, #tpu.memory_space<hbm>>
        %dma_wait3A_204 = arith.constant 0 : i32
        %dma_wait3A_205 = tpu.memref_slice %arg4[%dma_wait3A_204] : memref<51200xf32, #tpu.memory_space<vmem>> -> memref<800xf32, #tpu.memory_space<vmem>>
        %dma_wait3A_206 = tpu.memref_slice %arg2[%select_n3A, %dma_wait3A, %select_n3A_51] : memref<26x16x100000xf32, #tpu.memory_space<hbm>> -> memref<1x1x800xf32, #tpu.memory_space<hbm>>
        %dma_wait3A_207 = tpu.memref_squeeze %dma_wait3A_206 : memref<1x1x800xf32, #tpu.memory_space<hbm>> -> memref<800xf32, #tpu.memory_space<hbm>>
        tpu.wait_dma2 semaphore(%arg6 : memref<!tpu.dma_semaphore, #tpu.memory_space<semaphore_mem>>) src(%dma_wait3A_207 : memref<800xf32, #tpu.memory_space<hbm>>) dst(%dma_wait3A_205 : memref<800xf32, #tpu.memory_space<vmem>>)
        %dma_wait3A_208 = arith.constant 1 : i32
        %dma_wait3A_209 = arith.constant 3200 : i32
        %dma_wait3A_210 = tpu.memref_slice %arg4[%dma_wait3A_209] : memref<51200xf32, #tpu.memory_space<vmem>> -> memref<800xf32, #tpu.memory_space<vmem>>
        %dma_wait3A_211 = tpu.memref_slice %arg2[%select_n3A, %dma_wait3A_208, %select_n3A_51] : memref<26x16x100000xf32, #tpu.memory_space<hbm>> -> memref<1x1x800xf32, #tpu.memory_space<hbm>>
        %dma_wait3A_212 = tpu.memref_squeeze %dma_wait3A_211 : memref<1x1x800xf32, #tpu.memory_space<hbm>> -> memref<800xf32, #tpu.memory_space<hbm>>
        %dma_wait3A_213 = arith.constant 3200 : i32
        %dma_wait3A_214 = tpu.memref_slice %arg4[%dma_wait3A_213] : memref<51200xf32, #tpu.memory_space<vmem>> -> memref<800xf32, #tpu.memory_space<vmem>>
        %dma_wait3A_215 = tpu.memref_slice %arg2[%select_n3A, %dma_wait3A_208, %select_n3A_51] : memref<26x16x100000xf32, #tpu.memory_space<hbm>> -> memref<1x1x800xf32, #tpu.memory_space<hbm>>
        %dma_wait3A_216 = tpu.memref_squeeze %dma_wait3A_215 : memref<1x1x800xf32, #tpu.memory_space<hbm>> -> memref<800xf32, #tpu.memory_space<hbm>>
        tpu.wait_dma2 semaphore(%arg6 : memref<!tpu.dma_semaphore, #tpu.memory_space<semaphore_mem>>) src(%dma_wait3A_216 : memref<800xf32, #tpu.memory_space<hbm>>) dst(%dma_wait3A_214 : memref<800xf32, #tpu.memory_space<vmem>>)
        %dma_wait3A_217 = arith.constant 2 : i32
        %dma_wait3A_218 = arith.constant 6400 : i32
        %dma_wait3A_219 = tpu.memref_slice %arg4[%dma_wait3A_218] : memref<51200xf32, #tpu.memory_space<vmem>> -> memref<800xf32, #tpu.memory_space<vmem>>
        %dma_wait3A_220 = tpu.memref_slice %arg2[%select_n3A, %dma_wait3A_217, %select_n3A_51] : memref<26x16x100000xf32, #tpu.memory_space<hbm>> -> memref<1x1x800xf32, #tpu.memory_space<hbm>>
        %dma_wait3A_221 = tpu.memref_squeeze %dma_wait3A_220 : memref<1x1x800xf32, #tpu.memory_space<hbm>> -> memref<800xf32, #tpu.memory_space<hbm>>
        %dma_wait3A_222 = arith.constant 6400 : i32
        %dma_wait3A_223 = tpu.memref_slice %arg4[%dma_wait3A_222] : memref<51200xf32, #tpu.memory_space<vmem>> -> memref<800xf32, #tpu.memory_space<vmem>>
        %dma_wait3A_224 = tpu.memref_slice %arg2[%select_n3A, %dma_wait3A_217, %select_n3A_51] : memref<26x16x100000xf32, #tpu.memory_space<hbm>> -> memref<1x1x800xf32, #tpu.memory_space<hbm>>
        %dma_wait3A_225 = tpu.memref_squeeze %dma_wait3A_224 : memref<1x1x800xf32, #tpu.memory_space<hbm>> -> memref<800xf32, #tpu.memory_space<hbm>>
        tpu.wait_dma2 semaphore(%arg6 : memref<!tpu.dma_semaphore, #tpu.memory_space<semaphore_mem>>) src(%dma_wait3A_225 : memref<800xf32, #tpu.memory_space<hbm>>) dst(%dma_wait3A_223 : memref<800xf32, #tpu.memory_space<vmem>>)
        %dma_wait3A_226 = arith.constant 3 : i32
        %dma_wait3A_227 = arith.constant 9600 : i32
        %dma_wait3A_228 = tpu.memref_slice %arg4[%dma_wait3A_227] : memref<51200xf32, #tpu.memory_space<vmem>> -> memref<800xf32, #tpu.memory_space<vmem>>
        %dma_wait3A_229 = tpu.memref_slice %arg2[%select_n3A, %dma_wait3A_226, %select_n3A_51] : memref<26x16x100000xf32, #tpu.memory_space<hbm>> -> memref<1x1x800xf32, #tpu.memory_space<hbm>>
        %dma_wait3A_230 = tpu.memref_squeeze %dma_wait3A_229 : memref<1x1x800xf32, #tpu.memory_space<hbm>> -> memref<800xf32, #tpu.memory_space<hbm>>
        %dma_wait3A_231 = arith.constant 9600 : i32
        %dma_wait3A_232 = tpu.memref_slice %arg4[%dma_wait3A_231] : memref<51200xf32, #tpu.memory_space<vmem>> -> memref<800xf32, #tpu.memory_space<vmem>>
        %dma_wait3A_233 = tpu.memref_slice %arg2[%select_n3A, %dma_wait3A_226, %select_n3A_51] : memref<26x16x100000xf32, #tpu.memory_space<hbm>> -> memref<1x1x800xf32, #tpu.memory_space<hbm>>
        %dma_wait3A_234 = tpu.memref_squeeze %dma_wait3A_233 : memref<1x1x800xf32, #tpu.memory_space<hbm>> -> memref<800xf32, #tpu.memory_space<hbm>>
        tpu.wait_dma2 semaphore(%arg6 : memref<!tpu.dma_semaphore, #tpu.memory_space<semaphore_mem>>) src(%dma_wait3A_234 : memref<800xf32, #tpu.memory_space<hbm>>) dst(%dma_wait3A_232 : memref<800xf32, #tpu.memory_space<vmem>>)
        %dma_wait3A_235 = arith.constant 4 : i32
        %dma_wait3A_236 = arith.constant 12800 : i32
        %dma_wait3A_237 = tpu.memref_slice %arg4[%dma_wait3A_236] : memref<51200xf32, #tpu.memory_space<vmem>> -> memref<800xf32, #tpu.memory_space<vmem>>
        %dma_wait3A_238 = tpu.memref_slice %arg2[%select_n3A, %dma_wait3A_235, %select_n3A_51] : memref<26x16x100000xf32, #tpu.memory_space<hbm>> -> memref<1x1x800xf32, #tpu.memory_space<hbm>>
        %dma_wait3A_239 = tpu.memref_squeeze %dma_wait3A_238 : memref<1x1x800xf32, #tpu.memory_space<hbm>> -> memref<800xf32, #tpu.memory_space<hbm>>
        %dma_wait3A_240 = arith.constant 12800 : i32
        %dma_wait3A_241 = tpu.memref_slice %arg4[%dma_wait3A_240] : memref<51200xf32, #tpu.memory_space<vmem>> -> memref<800xf32, #tpu.memory_space<vmem>>
        %dma_wait3A_242 = tpu.memref_slice %arg2[%select_n3A, %dma_wait3A_235, %select_n3A_51] : memref<26x16x100000xf32, #tpu.memory_space<hbm>> -> memref<1x1x800xf32, #tpu.memory_space<hbm>>
        %dma_wait3A_243 = tpu.memref_squeeze %dma_wait3A_242 : memref<1x1x800xf32, #tpu.memory_space<hbm>> -> memref<800xf32, #tpu.memory_space<hbm>>
        tpu.wait_dma2 semaphore(%arg6 : memref<!tpu.dma_semaphore, #tpu.memory_space<semaphore_mem>>) src(%dma_wait3A_243 : memref<800xf32, #tpu.memory_space<hbm>>) dst(%dma_wait3A_241 : memref<800xf32, #tpu.memory_space<vmem>>)
        %dma_wait3A_244 = arith.constant 5 : i32
        %dma_wait3A_245 = arith.constant 16000 : i32
        %dma_wait3A_246 = tpu.memref_slice %arg4[%dma_wait3A_245] : memref<51200xf32, #tpu.memory_space<vmem>> -> memref<800xf32, #tpu.memory_space<vmem>>
        %dma_wait3A_247 = tpu.memref_slice %arg2[%select_n3A, %dma_wait3A_244, %select_n3A_51] : memref<26x16x100000xf32, #tpu.memory_space<hbm>> -> memref<1x1x800xf32, #tpu.memory_space<hbm>>
        %dma_wait3A_248 = tpu.memref_squeeze %dma_wait3A_247 : memref<1x1x800xf32, #tpu.memory_space<hbm>> -> memref<800xf32, #tpu.memory_space<hbm>>
        %dma_wait3A_249 = arith.constant 16000 : i32
        %dma_wait3A_250 = tpu.memref_slice %arg4[%dma_wait3A_249] : memref<51200xf32, #tpu.memory_space<vmem>> -> memref<800xf32, #tpu.memory_space<vmem>>
        %dma_wait3A_251 = tpu.memref_slice %arg2[%select_n3A, %dma_wait3A_244, %select_n3A_51] : memref<26x16x100000xf32, #tpu.memory_space<hbm>> -> memref<1x1x800xf32, #tpu.memory_space<hbm>>
        %dma_wait3A_252 = tpu.memref_squeeze %dma_wait3A_251 : memref<1x1x800xf32, #tpu.memory_space<hbm>> -> memref<800xf32, #tpu.memory_space<hbm>>
        tpu.wait_dma2 semaphore(%arg6 : memref<!tpu.dma_semaphore, #tpu.memory_space<semaphore_mem>>) src(%dma_wait3A_252 : memref<800xf32, #tpu.memory_space<hbm>>) dst(%dma_wait3A_250 : memref<800xf32, #tpu.memory_space<vmem>>)
        %dma_wait3A_253 = arith.constant 6 : i32
        %dma_wait3A_254 = arith.constant 19200 : i32
        %dma_wait3A_255 = tpu.memref_slice %arg4[%dma_wait3A_254] : memref<51200xf32, #tpu.memory_space<vmem>> -> memref<800xf32, #tpu.memory_space<vmem>>
        %dma_wait3A_256 = tpu.memref_slice %arg2[%select_n3A, %dma_wait3A_253, %select_n3A_51] : memref<26x16x100000xf32, #tpu.memory_space<hbm>> -> memref<1x1x800xf32, #tpu.memory_space<hbm>>
        %dma_wait3A_257 = tpu.memref_squeeze %dma_wait3A_256 : memref<1x1x800xf32, #tpu.memory_space<hbm>> -> memref<800xf32, #tpu.memory_space<hbm>>
        %dma_wait3A_258 = arith.constant 19200 : i32
        %dma_wait3A_259 = tpu.memref_slice %arg4[%dma_wait3A_258] : memref<51200xf32, #tpu.memory_space<vmem>> -> memref<800xf32, #tpu.memory_space<vmem>>
        %dma_wait3A_260 = tpu.memref_slice %arg2[%select_n3A, %dma_wait3A_253, %select_n3A_51] : memref<26x16x100000xf32, #tpu.memory_space<hbm>> -> memref<1x1x800xf32, #tpu.memory_space<hbm>>
        %dma_wait3A_261 = tpu.memref_squeeze %dma_wait3A_260 : memref<1x1x800xf32, #tpu.memory_space<hbm>> -> memref<800xf32, #tpu.memory_space<hbm>>
        tpu.wait_dma2 semaphore(%arg6 : memref<!tpu.dma_semaphore, #tpu.memory_space<semaphore_mem>>) src(%dma_wait3A_261 : memref<800xf32, #tpu.memory_space<hbm>>) dst(%dma_wait3A_259 : memref<800xf32, #tpu.memory_space<vmem>>)
        %dma_wait3A_262 = arith.constant 7 : i32
        %dma_wait3A_263 = arith.constant 22400 : i32
        %dma_wait3A_264 = tpu.memref_slice %arg4[%dma_wait3A_263] : memref<51200xf32, #tpu.memory_space<vmem>> -> memref<800xf32, #tpu.memory_space<vmem>>
        %dma_wait3A_265 = tpu.memref_slice %arg2[%select_n3A, %dma_wait3A_262, %select_n3A_51] : memref<26x16x100000xf32, #tpu.memory_space<hbm>> -> memref<1x1x800xf32, #tpu.memory_space<hbm>>
        %dma_wait3A_266 = tpu.memref_squeeze %dma_wait3A_265 : memref<1x1x800xf32, #tpu.memory_space<hbm>> -> memref<800xf32, #tpu.memory_space<hbm>>
        %dma_wait3A_267 = arith.constant 22400 : i32
        %dma_wait3A_268 = tpu.memref_slice %arg4[%dma_wait3A_267] : memref<51200xf32, #tpu.memory_space<vmem>> -> memref<800xf32, #tpu.memory_space<vmem>>
        %dma_wait3A_269 = tpu.memref_slice %arg2[%select_n3A, %dma_wait3A_262, %select_n3A_51] : memref<26x16x100000xf32, #tpu.memory_space<hbm>> -> memref<1x1x800xf32, #tpu.memory_space<hbm>>
        %dma_wait3A_270 = tpu.memref_squeeze %dma_wait3A_269 : memref<1x1x800xf32, #tpu.memory_space<hbm>> -> memref<800xf32, #tpu.memory_space<hbm>>
        tpu.wait_dma2 semaphore(%arg6 : memref<!tpu.dma_semaphore, #tpu.memory_space<semaphore_mem>>) src(%dma_wait3A_270 : memref<800xf32, #tpu.memory_space<hbm>>) dst(%dma_wait3A_268 : memref<800xf32, #tpu.memory_space<vmem>>)
        %dma_wait3A_271 = arith.constant 8 : i32
        %dma_wait3A_272 = arith.constant 25600 : i32
        %dma_wait3A_273 = tpu.memref_slice %arg4[%dma_wait3A_272] : memref<51200xf32, #tpu.memory_space<vmem>> -> memref<800xf32, #tpu.memory_space<vmem>>
        %dma_wait3A_274 = tpu.memref_slice %arg2[%select_n3A, %dma_wait3A_271, %select_n3A_51] : memref<26x16x100000xf32, #tpu.memory_space<hbm>> -> memref<1x1x800xf32, #tpu.memory_space<hbm>>
        %dma_wait3A_275 = tpu.memref_squeeze %dma_wait3A_274 : memref<1x1x800xf32, #tpu.memory_space<hbm>> -> memref<800xf32, #tpu.memory_space<hbm>>
        %dma_wait3A_276 = arith.constant 25600 : i32
        %dma_wait3A_277 = tpu.memref_slice %arg4[%dma_wait3A_276] : memref<51200xf32, #tpu.memory_space<vmem>> -> memref<800xf32, #tpu.memory_space<vmem>>
        %dma_wait3A_278 = tpu.memref_slice %arg2[%select_n3A, %dma_wait3A_271, %select_n3A_51] : memref<26x16x100000xf32, #tpu.memory_space<hbm>> -> memref<1x1x800xf32, #tpu.memory_space<hbm>>
        %dma_wait3A_279 = tpu.memref_squeeze %dma_wait3A_278 : memref<1x1x800xf32, #tpu.memory_space<hbm>> -> memref<800xf32, #tpu.memory_space<hbm>>
        tpu.wait_dma2 semaphore(%arg6 : memref<!tpu.dma_semaphore, #tpu.memory_space<semaphore_mem>>) src(%dma_wait3A_279 : memref<800xf32, #tpu.memory_space<hbm>>) dst(%dma_wait3A_277 : memref<800xf32, #tpu.memory_space<vmem>>)
        %dma_wait3A_280 = arith.constant 9 : i32
        %dma_wait3A_281 = arith.constant 28800 : i32
        %dma_wait3A_282 = tpu.memref_slice %arg4[%dma_wait3A_281] : memref<51200xf32, #tpu.memory_space<vmem>> -> memref<800xf32, #tpu.memory_space<vmem>>
        %dma_wait3A_283 = tpu.memref_slice %arg2[%select_n3A, %dma_wait3A_280, %select_n3A_51] : memref<26x16x100000xf32, #tpu.memory_space<hbm>> -> memref<1x1x800xf32, #tpu.memory_space<hbm>>
        %dma_wait3A_284 = tpu.memref_squeeze %dma_wait3A_283 : memref<1x1x800xf32, #tpu.memory_space<hbm>> -> memref<800xf32, #tpu.memory_space<hbm>>
        %dma_wait3A_285 = arith.constant 28800 : i32
        %dma_wait3A_286 = tpu.memref_slice %arg4[%dma_wait3A_285] : memref<51200xf32, #tpu.memory_space<vmem>> -> memref<800xf32, #tpu.memory_space<vmem>>
        %dma_wait3A_287 = tpu.memref_slice %arg2[%select_n3A, %dma_wait3A_280, %select_n3A_51] : memref<26x16x100000xf32, #tpu.memory_space<hbm>> -> memref<1x1x800xf32, #tpu.memory_space<hbm>>
        %dma_wait3A_288 = tpu.memref_squeeze %dma_wait3A_287 : memref<1x1x800xf32, #tpu.memory_space<hbm>> -> memref<800xf32, #tpu.memory_space<hbm>>
        tpu.wait_dma2 semaphore(%arg6 : memref<!tpu.dma_semaphore, #tpu.memory_space<semaphore_mem>>) src(%dma_wait3A_288 : memref<800xf32, #tpu.memory_space<hbm>>) dst(%dma_wait3A_286 : memref<800xf32, #tpu.memory_space<vmem>>)
        %dma_wait3A_289 = arith.constant 10 : i32
        %dma_wait3A_290 = arith.constant 32000 : i32
        %dma_wait3A_291 = tpu.memref_slice %arg4[%dma_wait3A_290] : memref<51200xf32, #tpu.memory_space<vmem>> -> memref<800xf32, #tpu.memory_space<vmem>>
        %dma_wait3A_292 = tpu.memref_slice %arg2[%select_n3A, %dma_wait3A_289, %select_n3A_51] : memref<26x16x100000xf32, #tpu.memory_space<hbm>> -> memref<1x1x800xf32, #tpu.memory_space<hbm>>
        %dma_wait3A_293 = tpu.memref_squeeze %dma_wait3A_292 : memref<1x1x800xf32, #tpu.memory_space<hbm>> -> memref<800xf32, #tpu.memory_space<hbm>>
        %dma_wait3A_294 = arith.constant 32000 : i32
        %dma_wait3A_295 = tpu.memref_slice %arg4[%dma_wait3A_294] : memref<51200xf32, #tpu.memory_space<vmem>> -> memref<800xf32, #tpu.memory_space<vmem>>
        %dma_wait3A_296 = tpu.memref_slice %arg2[%select_n3A, %dma_wait3A_289, %select_n3A_51] : memref<26x16x100000xf32, #tpu.memory_space<hbm>> -> memref<1x1x800xf32, #tpu.memory_space<hbm>>
        %dma_wait3A_297 = tpu.memref_squeeze %dma_wait3A_296 : memref<1x1x800xf32, #tpu.memory_space<hbm>> -> memref<800xf32, #tpu.memory_space<hbm>>
        tpu.wait_dma2 semaphore(%arg6 : memref<!tpu.dma_semaphore, #tpu.memory_space<semaphore_mem>>) src(%dma_wait3A_297 : memref<800xf32, #tpu.memory_space<hbm>>) dst(%dma_wait3A_295 : memref<800xf32, #tpu.memory_space<vmem>>)
        %dma_wait3A_298 = arith.constant 11 : i32
        %dma_wait3A_299 = arith.constant 35200 : i32
        %dma_wait3A_300 = tpu.memref_slice %arg4[%dma_wait3A_299] : memref<51200xf32, #tpu.memory_space<vmem>> -> memref<800xf32, #tpu.memory_space<vmem>>
        %dma_wait3A_301 = tpu.memref_slice %arg2[%select_n3A, %dma_wait3A_298, %select_n3A_51] : memref<26x16x100000xf32, #tpu.memory_space<hbm>> -> memref<1x1x800xf32, #tpu.memory_space<hbm>>
        %dma_wait3A_302 = tpu.memref_squeeze %dma_wait3A_301 : memref<1x1x800xf32, #tpu.memory_space<hbm>> -> memref<800xf32, #tpu.memory_space<hbm>>
        %dma_wait3A_303 = arith.constant 35200 : i32
        %dma_wait3A_304 = tpu.memref_slice %arg4[%dma_wait3A_303] : memref<51200xf32, #tpu.memory_space<vmem>> -> memref<800xf32, #tpu.memory_space<vmem>>
        %dma_wait3A_305 = tpu.memref_slice %arg2[%select_n3A, %dma_wait3A_298, %select_n3A_51] : memref<26x16x100000xf32, #tpu.memory_space<hbm>> -> memref<1x1x800xf32, #tpu.memory_space<hbm>>
        %dma_wait3A_306 = tpu.memref_squeeze %dma_wait3A_305 : memref<1x1x800xf32, #tpu.memory_space<hbm>> -> memref<800xf32, #tpu.memory_space<hbm>>
        tpu.wait_dma2 semaphore(%arg6 : memref<!tpu.dma_semaphore, #tpu.memory_space<semaphore_mem>>) src(%dma_wait3A_306 : memref<800xf32, #tpu.memory_space<hbm>>) dst(%dma_wait3A_304 : memref<800xf32, #tpu.memory_space<vmem>>)
        %dma_wait3A_307 = arith.constant 12 : i32
        %dma_wait3A_308 = arith.constant 38400 : i32
        %dma_wait3A_309 = tpu.memref_slice %arg4[%dma_wait3A_308] : memref<51200xf32, #tpu.memory_space<vmem>> -> memref<800xf32, #tpu.memory_space<vmem>>
        %dma_wait3A_310 = tpu.memref_slice %arg2[%select_n3A, %dma_wait3A_307, %select_n3A_51] : memref<26x16x100000xf32, #tpu.memory_space<hbm>> -> memref<1x1x800xf32, #tpu.memory_space<hbm>>
        %dma_wait3A_311 = tpu.memref_squeeze %dma_wait3A_310 : memref<1x1x800xf32, #tpu.memory_space<hbm>> -> memref<800xf32, #tpu.memory_space<hbm>>
        %dma_wait3A_312 = arith.constant 38400 : i32
        %dma_wait3A_313 = tpu.memref_slice %arg4[%dma_wait3A_312] : memref<51200xf32, #tpu.memory_space<vmem>> -> memref<800xf32, #tpu.memory_space<vmem>>
        %dma_wait3A_314 = tpu.memref_slice %arg2[%select_n3A, %dma_wait3A_307, %select_n3A_51] : memref<26x16x100000xf32, #tpu.memory_space<hbm>> -> memref<1x1x800xf32, #tpu.memory_space<hbm>>
        %dma_wait3A_315 = tpu.memref_squeeze %dma_wait3A_314 : memref<1x1x800xf32, #tpu.memory_space<hbm>> -> memref<800xf32, #tpu.memory_space<hbm>>
        tpu.wait_dma2 semaphore(%arg6 : memref<!tpu.dma_semaphore, #tpu.memory_space<semaphore_mem>>) src(%dma_wait3A_315 : memref<800xf32, #tpu.memory_space<hbm>>) dst(%dma_wait3A_313 : memref<800xf32, #tpu.memory_space<vmem>>)
        %dma_wait3A_316 = arith.constant 13 : i32
        %dma_wait3A_317 = arith.constant 41600 : i32
        %dma_wait3A_318 = tpu.memref_slice %arg4[%dma_wait3A_317] : memref<51200xf32, #tpu.memory_space<vmem>> -> memref<800xf32, #tpu.memory_space<vmem>>
        %dma_wait3A_319 = tpu.memref_slice %arg2[%select_n3A, %dma_wait3A_316, %select_n3A_51] : memref<26x16x100000xf32, #tpu.memory_space<hbm>> -> memref<1x1x800xf32, #tpu.memory_space<hbm>>
        %dma_wait3A_320 = tpu.memref_squeeze %dma_wait3A_319 : memref<1x1x800xf32, #tpu.memory_space<hbm>> -> memref<800xf32, #tpu.memory_space<hbm>>
        %dma_wait3A_321 = arith.constant 41600 : i32
        %dma_wait3A_322 = tpu.memref_slice %arg4[%dma_wait3A_321] : memref<51200xf32, #tpu.memory_space<vmem>> -> memref<800xf32, #tpu.memory_space<vmem>>
        %dma_wait3A_323 = tpu.memref_slice %arg2[%select_n3A, %dma_wait3A_316, %select_n3A_51] : memref<26x16x100000xf32, #tpu.memory_space<hbm>> -> memref<1x1x800xf32, #tpu.memory_space<hbm>>
        %dma_wait3A_324 = tpu.memref_squeeze %dma_wait3A_323 : memref<1x1x800xf32, #tpu.memory_space<hbm>> -> memref<800xf32, #tpu.memory_space<hbm>>
        tpu.wait_dma2 semaphore(%arg6 : memref<!tpu.dma_semaphore, #tpu.memory_space<semaphore_mem>>) src(%dma_wait3A_324 : memref<800xf32, #tpu.memory_space<hbm>>) dst(%dma_wait3A_322 : memref<800xf32, #tpu.memory_space<vmem>>)
        %dma_wait3A_325 = arith.constant 14 : i32
        %dma_wait3A_326 = arith.constant 44800 : i32
        %dma_wait3A_327 = tpu.memref_slice %arg4[%dma_wait3A_326] : memref<51200xf32, #tpu.memory_space<vmem>> -> memref<800xf32, #tpu.memory_space<vmem>>
        %dma_wait3A_328 = tpu.memref_slice %arg2[%select_n3A, %dma_wait3A_325, %select_n3A_51] : memref<26x16x100000xf32, #tpu.memory_space<hbm>> -> memref<1x1x800xf32, #tpu.memory_space<hbm>>
        %dma_wait3A_329 = tpu.memref_squeeze %dma_wait3A_328 : memref<1x1x800xf32, #tpu.memory_space<hbm>> -> memref<800xf32, #tpu.memory_space<hbm>>
        %dma_wait3A_330 = arith.constant 44800 : i32
        %dma_wait3A_331 = tpu.memref_slice %arg4[%dma_wait3A_330] : memref<51200xf32, #tpu.memory_space<vmem>> -> memref<800xf32, #tpu.memory_space<vmem>>
        %dma_wait3A_332 = tpu.memref_slice %arg2[%select_n3A, %dma_wait3A_325, %select_n3A_51] : memref<26x16x100000xf32, #tpu.memory_space<hbm>> -> memref<1x1x800xf32, #tpu.memory_space<hbm>>
        %dma_wait3A_333 = tpu.memref_squeeze %dma_wait3A_332 : memref<1x1x800xf32, #tpu.memory_space<hbm>> -> memref<800xf32, #tpu.memory_space<hbm>>
        tpu.wait_dma2 semaphore(%arg6 : memref<!tpu.dma_semaphore, #tpu.memory_space<semaphore_mem>>) src(%dma_wait3A_333 : memref<800xf32, #tpu.memory_space<hbm>>) dst(%dma_wait3A_331 : memref<800xf32, #tpu.memory_space<vmem>>)
        %dma_wait3A_334 = arith.constant 15 : i32
        %dma_wait3A_335 = arith.constant 48000 : i32
        %dma_wait3A_336 = tpu.memref_slice %arg4[%dma_wait3A_335] : memref<51200xf32, #tpu.memory_space<vmem>> -> memref<800xf32, #tpu.memory_space<vmem>>
        %dma_wait3A_337 = tpu.memref_slice %arg2[%select_n3A, %dma_wait3A_334, %select_n3A_51] : memref<26x16x100000xf32, #tpu.memory_space<hbm>> -> memref<1x1x800xf32, #tpu.memory_space<hbm>>
        %dma_wait3A_338 = tpu.memref_squeeze %dma_wait3A_337 : memref<1x1x800xf32, #tpu.memory_space<hbm>> -> memref<800xf32, #tpu.memory_space<hbm>>
        %dma_wait3A_339 = arith.constant 48000 : i32
        %dma_wait3A_340 = tpu.memref_slice %arg4[%dma_wait3A_339] : memref<51200xf32, #tpu.memory_space<vmem>> -> memref<800xf32, #tpu.memory_space<vmem>>
        %dma_wait3A_341 = tpu.memref_slice %arg2[%select_n3A, %dma_wait3A_334, %select_n3A_51] : memref<26x16x100000xf32, #tpu.memory_space<hbm>> -> memref<1x1x800xf32, #tpu.memory_space<hbm>>
        %dma_wait3A_342 = tpu.memref_squeeze %dma_wait3A_341 : memref<1x1x800xf32, #tpu.memory_space<hbm>> -> memref<800xf32, #tpu.memory_space<hbm>>
        tpu.wait_dma2 semaphore(%arg6 : memref<!tpu.dma_semaphore, #tpu.memory_space<semaphore_mem>>) src(%dma_wait3A_342 : memref<800xf32, #tpu.memory_space<hbm>>) dst(%dma_wait3A_340 : memref<800xf32, #tpu.memory_space<vmem>>)
        "tpu.region"() ({
          %run_scoped3A = tpu.sem_alloc : memref<!tpu.dma_semaphore, #tpu.memory_space<semaphore_mem>>
          %dma_start3A_343 = arith.constant 0 : i32
          %dma_start3A_344 = arith.constant 0 : i32
          %dma_start3A_345 = tpu.memref_slice %arg5[%dma_start3A_343, %dma_start3A_344] : memref<3200x16xf32, #tpu.memory_space<vmem>> -> memref<800x16xf32, #tpu.memory_space<vmem>>
          %dma_start3A_346 = arith.constant 0 : i32
          %dma_start3A_347 = tpu.memref_slice %arg3[%select_n3A, %select_n3A_51, %dma_start3A_346] : memref<26x100000x16xf32, #tpu.memory_space<hbm>> -> memref<1x800x16xf32, #tpu.memory_space<hbm>>
          %dma_start3A_348 = tpu.memref_squeeze %dma_start3A_347 : memref<1x800x16xf32, #tpu.memory_space<hbm>> -> memref<800x16xf32, #tpu.memory_space<hbm>>
          %dma_start3A_349 = arith.constant 0 : i32
          %dma_start3A_350 = tpu.memref_slice %arg3[%select_n3A, %select_n3A_51, %dma_start3A_349] : memref<26x100000x16xf32, #tpu.memory_space<hbm>> -> memref<1x800x16xf32, #tpu.memory_space<hbm>>
          %dma_start3A_351 = tpu.memref_squeeze %dma_start3A_350 : memref<1x800x16xf32, #tpu.memory_space<hbm>> -> memref<800x16xf32, #tpu.memory_space<hbm>>
          %dma_start3A_352 = arith.constant 0 : i32
          %dma_start3A_353 = arith.constant 0 : i32
          %dma_start3A_354 = tpu.memref_slice %arg5[%dma_start3A_352, %dma_start3A_353] : memref<3200x16xf32, #tpu.memory_space<vmem>> -> memref<800x16xf32, #tpu.memory_space<vmem>>
          tpu.enqueue_dma source(%dma_start3A_354 : memref<800x16xf32, #tpu.memory_space<vmem>>) target(%dma_start3A_351 : memref<800x16xf32, #tpu.memory_space<hbm>>) target_semaphore(%run_scoped3A : memref<!tpu.dma_semaphore, #tpu.memory_space<semaphore_mem>>)
          %dma_wait3A_355 = arith.constant 0 : i32
          %dma_wait3A_356 = arith.constant 0 : i32
          %dma_wait3A_357 = tpu.memref_slice %arg5[%dma_wait3A_355, %dma_wait3A_356] : memref<3200x16xf32, #tpu.memory_space<vmem>> -> memref<800x16xf32, #tpu.memory_space<vmem>>
          %dma_wait3A_358 = arith.constant 0 : i32
          %dma_wait3A_359 = tpu.memref_slice %arg3[%select_n3A, %select_n3A_51, %dma_wait3A_358] : memref<26x100000x16xf32, #tpu.memory_space<hbm>> -> memref<1x800x16xf32, #tpu.memory_space<hbm>>
          %dma_wait3A_360 = tpu.memref_squeeze %dma_wait3A_359 : memref<1x800x16xf32, #tpu.memory_space<hbm>> -> memref<800x16xf32, #tpu.memory_space<hbm>>
          %dma_wait3A_361 = arith.constant 0 : i32
          %dma_wait3A_362 = tpu.memref_slice %arg3[%select_n3A, %select_n3A_51, %dma_wait3A_361] : memref<26x100000x16xf32, #tpu.memory_space<hbm>> -> memref<1x800x16xf32, #tpu.memory_space<hbm>>
          %dma_wait3A_363 = tpu.memref_squeeze %dma_wait3A_362 : memref<1x800x16xf32, #tpu.memory_space<hbm>> -> memref<800x16xf32, #tpu.memory_space<hbm>>
          %dma_wait3A_364 = arith.constant 0 : i32
          %dma_wait3A_365 = arith.constant 0 : i32
          %dma_wait3A_366 = tpu.memref_slice %arg5[%dma_wait3A_364, %dma_wait3A_365] : memref<3200x16xf32, #tpu.memory_space<vmem>> -> memref<800x16xf32, #tpu.memory_space<vmem>>
          tpu.wait_dma2 semaphore(%run_scoped3A : memref<!tpu.dma_semaphore, #tpu.memory_space<semaphore_mem>>) src(%dma_wait3A_366 : memref<800x16xf32, #tpu.memory_space<vmem>>) dst(%dma_wait3A_363 : memref<800x16xf32, #tpu.memory_space<hbm>>)
          tpu.yield
        }) : () -> ()
      } else {
      }
    }
    %scan3A_7 = arith.constant 26 : i32
    return
  }
}

module attributes {stable_mosaic.version = 14 : i64} {
  func.func @_mlp_body(%arg0: i32, %arg1: memref<512x416xf32, #tpu.memory_space<vmem>>, %arg2: memref<512x13xf32, #tpu.memory_space<vmem>>, %arg3: memref<416x1024xf32, #tpu.memory_space<vmem>>, %arg4: memref<13x1024xf32, #tpu.memory_space<vmem>>, %arg5: memref<1x1024xf32, #tpu.memory_space<vmem>>, %arg6: memref<1024x512xf32, #tpu.memory_space<vmem>>, %arg7: memref<1x512xf32, #tpu.memory_space<vmem>>, %arg8: memref<512x256xf32, #tpu.memory_space<vmem>>, %arg9: memref<1x256xf32, #tpu.memory_space<vmem>>, %arg10: memref<1x256xf32, #tpu.memory_space<vmem>>, %arg11: memref<1x1xf32, #tpu.memory_space<vmem>>, %arg12: memref<416x128xf32, #tpu.memory_space<vmem>>, %arg13: memref<512xf32, #tpu.memory_space<vmem>>) attributes {dimension_semantics = [#tpu.dimension_semantics<arbitrary>], iteration_bounds = array<i64: 32>, scalar_prefetch = 0 : i64, scratch_operands = 0 : i64, tpu.core_type = #tpu.core_type<tc>, window_params = [{transform_indices = @transform_0, window_bounds = array<i64: 512, 416>}, {transform_indices = @transform_1, window_bounds = array<i64: 512, 13>}, {pipeline_mode = #tpu.pipeline_mode<synchronous>, transform_indices = @transform_2, window_bounds = array<i64: 416, 1024>}, {pipeline_mode = #tpu.pipeline_mode<synchronous>, transform_indices = @transform_3, window_bounds = array<i64: 13, 1024>}, {pipeline_mode = #tpu.pipeline_mode<synchronous>, transform_indices = @transform_4, window_bounds = array<i64: 1, 1024>}, {pipeline_mode = #tpu.pipeline_mode<synchronous>, transform_indices = @transform_5, window_bounds = array<i64: 1024, 512>}, {pipeline_mode = #tpu.pipeline_mode<synchronous>, transform_indices = @transform_6, window_bounds = array<i64: 1, 512>}, {pipeline_mode = #tpu.pipeline_mode<synchronous>, transform_indices = @transform_7, window_bounds = array<i64: 512, 256>}, {pipeline_mode = #tpu.pipeline_mode<synchronous>, transform_indices = @transform_8, window_bounds = array<i64: 1, 256>}, {pipeline_mode = #tpu.pipeline_mode<synchronous>, transform_indices = @transform_9, window_bounds = array<i64: 1, 256>}, {pipeline_mode = #tpu.pipeline_mode<synchronous>, transform_indices = @transform_10, window_bounds = array<i64: 1, 1>}, {pipeline_mode = #tpu.pipeline_mode<synchronous>, transform_indices = @transform_11, window_bounds = array<i64: 416, 128>}, {transform_indices = @transform_12, window_bounds = array<i64: 512>}]} {
    %get3A = arith.constant 0 : index
    %get3A_0 = arith.constant 0 : index
    %get3A_1 = vector.load %arg1[%get3A, %get3A_0] : memref<512x416xf32, #tpu.memory_space<vmem>>, vector<512x416xf32>
    %get3A_2 = arith.constant 0 : index
    %get3A_3 = arith.constant 0 : index
    %get3A_4 = vector.load %arg12[%get3A_2, %get3A_3] : memref<416x128xf32, #tpu.memory_space<vmem>>, vector<416x128xf32>
    %dot_general3A = arith.constant dense<0.000000e+00> : vector<512x128xf32>
    %dot_general3A_5 = tpu.matmul %get3A_1, %get3A_4, %dot_general3A {dimension_numbers = #tpu.dot_dimension_numbers<[1], [0], [0], [1], [0, 0, 1, 1], [], []>, transpose_lhs_hint = false} : vector<512x416xf32>, vector<416x128xf32>, vector<512x128xf32> -> vector<512x128xf32>
    %mul3A = arith.mulf %dot_general3A_5, %dot_general3A_5 : vector<512x128xf32>
    %reduce_sum3A = arith.constant dense<0.000000e+00> : vector<512xf32>
    %reduce_sum3A_6 = vector.multi_reduction <add>, %mul3A, %reduce_sum3A [1] : vector<512x128xf32> to vector<512xf32>
    %mul3A_7 = arith.mulf %get3A_1, %get3A_1 : vector<512x416xf32>
    %reduce_sum3A_8 = arith.constant dense<0.000000e+00> : vector<512xf32>
    %reduce_sum3A_9 = vector.multi_reduction <add>, %mul3A_7, %reduce_sum3A_8 [1] : vector<512x416xf32> to vector<512xf32>
    %sub3A = arith.subf %reduce_sum3A_6, %reduce_sum3A_9 : vector<512xf32>
    %mul3A_10 = arith.constant 5.000000e-01 : f32
    %mul3A_11 = vector.broadcast %mul3A_10 : f32 to vector<512xf32>
    %mul3A_12 = arith.mulf %mul3A_11, %sub3A : vector<512xf32>
    %get3A_13 = arith.constant 0 : index
    %get3A_14 = arith.constant 0 : index
    %get3A_15 = vector.load %arg3[%get3A_13, %get3A_14] : memref<416x1024xf32, #tpu.memory_space<vmem>>, vector<416x1024xf32>
    %dot_general3A_16 = arith.constant dense<0.000000e+00> : vector<512x1024xf32>
    %dot_general3A_17 = tpu.matmul %get3A_1, %get3A_15, %dot_general3A_16 {dimension_numbers = #tpu.dot_dimension_numbers<[1], [0], [0], [1], [0, 0, 1, 1], [], []>, transpose_lhs_hint = false} : vector<512x416xf32>, vector<416x1024xf32>, vector<512x1024xf32> -> vector<512x1024xf32>
    %get3A_18 = arith.constant 0 : index
    %get3A_19 = arith.constant 0 : index
    %get3A_20 = vector.load %arg2[%get3A_18, %get3A_19] : memref<512x13xf32, #tpu.memory_space<vmem>>, vector<512x13xf32>
    %get3A_21 = arith.constant 0 : index
    %get3A_22 = arith.constant 0 : index
    %get3A_23 = vector.load %arg4[%get3A_21, %get3A_22] : memref<13x1024xf32, #tpu.memory_space<vmem>>, vector<13x1024xf32>
    %dot_general3A_24 = arith.constant dense<0.000000e+00> : vector<512x1024xf32>
    %dot_general3A_25 = tpu.matmul %get3A_20, %get3A_23, %dot_general3A_24 {dimension_numbers = #tpu.dot_dimension_numbers<[1], [0], [0], [1], [0, 0, 1, 1], [], []>, transpose_lhs_hint = false} : vector<512x13xf32>, vector<13x1024xf32>, vector<512x1024xf32> -> vector<512x1024xf32>
    %add3A = arith.addf %dot_general3A_17, %dot_general3A_25 : vector<512x1024xf32>
    %get3A_26 = arith.constant 0 : index
    %get3A_27 = arith.constant 0 : index
    %get3A_28 = vector.load %arg5[%get3A_26, %get3A_27] : memref<1x1024xf32, #tpu.memory_space<vmem>>, vector<1x1024xf32>
    %add3A_29 = vector.broadcast %get3A_28 : vector<1x1024xf32> to vector<512x1024xf32>
    %add3A_30 = arith.addf %add3A, %add3A_29 : vector<512x1024xf32>
    %max3A = arith.constant 0.000000e+00 : f32
    %max3A_31 = vector.broadcast %max3A : f32 to vector<512x1024xf32>
    %max3A_32 = arith.maximumf %add3A_30, %max3A_31 : vector<512x1024xf32>
    %get3A_33 = arith.constant 0 : index
    %get3A_34 = arith.constant 0 : index
    %get3A_35 = vector.load %arg6[%get3A_33, %get3A_34] : memref<1024x512xf32, #tpu.memory_space<vmem>>, vector<1024x512xf32>
    %dot_general3A_36 = arith.constant dense<0.000000e+00> : vector<512x512xf32>
    %dot_general3A_37 = tpu.matmul %max3A_32, %get3A_35, %dot_general3A_36 {dimension_numbers = #tpu.dot_dimension_numbers<[1], [0], [0], [1], [0, 0, 1, 1], [], []>, transpose_lhs_hint = false} : vector<512x1024xf32>, vector<1024x512xf32>, vector<512x512xf32> -> vector<512x512xf32>
    %get3A_38 = arith.constant 0 : index
    %get3A_39 = arith.constant 0 : index
    %get3A_40 = vector.load %arg7[%get3A_38, %get3A_39] : memref<1x512xf32, #tpu.memory_space<vmem>>, vector<1x512xf32>
    %add3A_41 = vector.broadcast %get3A_40 : vector<1x512xf32> to vector<512x512xf32>
    %add3A_42 = arith.addf %dot_general3A_37, %add3A_41 : vector<512x512xf32>
    %max3A_43 = arith.constant 0.000000e+00 : f32
    %max3A_44 = vector.broadcast %max3A_43 : f32 to vector<512x512xf32>
    %max3A_45 = arith.maximumf %add3A_42, %max3A_44 : vector<512x512xf32>
    %get3A_46 = arith.constant 0 : index
    %get3A_47 = arith.constant 0 : index
    %get3A_48 = vector.load %arg8[%get3A_46, %get3A_47] : memref<512x256xf32, #tpu.memory_space<vmem>>, vector<512x256xf32>
    %dot_general3A_49 = arith.constant dense<0.000000e+00> : vector<512x256xf32>
    %dot_general3A_50 = tpu.matmul %max3A_45, %get3A_48, %dot_general3A_49 {dimension_numbers = #tpu.dot_dimension_numbers<[1], [0], [0], [1], [0, 0, 1, 1], [], []>, transpose_lhs_hint = false} : vector<512x512xf32>, vector<512x256xf32>, vector<512x256xf32> -> vector<512x256xf32>
    %get3A_51 = arith.constant 0 : index
    %get3A_52 = arith.constant 0 : index
    %get3A_53 = vector.load %arg9[%get3A_51, %get3A_52] : memref<1x256xf32, #tpu.memory_space<vmem>>, vector<1x256xf32>
    %add3A_54 = vector.broadcast %get3A_53 : vector<1x256xf32> to vector<512x256xf32>
    %add3A_55 = arith.addf %dot_general3A_50, %add3A_54 : vector<512x256xf32>
    %max3A_56 = arith.constant 0.000000e+00 : f32
    %max3A_57 = vector.broadcast %max3A_56 : f32 to vector<512x256xf32>
    %max3A_58 = arith.maximumf %add3A_55, %max3A_57 : vector<512x256xf32>
    %get3A_59 = arith.constant 0 : index
    %get3A_60 = arith.constant 0 : index
    %get3A_61 = vector.load %arg10[%get3A_59, %get3A_60] : memref<1x256xf32, #tpu.memory_space<vmem>>, vector<1x256xf32>
    %mul3A_62 = vector.broadcast %get3A_61 : vector<1x256xf32> to vector<512x256xf32>
    %mul3A_63 = arith.mulf %max3A_58, %mul3A_62 : vector<512x256xf32>
    %reduce_sum3A_64 = arith.constant dense<0.000000e+00> : vector<512xf32>
    %reduce_sum3A_65 = vector.multi_reduction <add>, %mul3A_63, %reduce_sum3A_64 [1] : vector<512x256xf32> to vector<512xf32>
    %get3A_66 = arith.constant 0 : index
    %get3A_67 = arith.constant 0 : index
    %get3A_68 = vector.load %arg11[%get3A_66, %get3A_67] : memref<1x1xf32, #tpu.memory_space<vmem>>, vector<1x1xf32>
    %get3A_69 = vector.extract %get3A_68[0, 0] : f32 from vector<1x1xf32>
    %add3A_70 = vector.broadcast %get3A_69 : f32 to vector<512xf32>
    %add3A_71 = arith.addf %reduce_sum3A_65, %add3A_70 : vector<512xf32>
    %add3A_72 = arith.addf %mul3A_12, %add3A_71 : vector<512xf32>
    %neg3A = arith.constant 0.000000e+00 : f32
    %neg3A_73 = vector.broadcast %neg3A : f32 to vector<512xf32>
    %neg3A_74 = arith.subf %neg3A_73, %add3A_72 : vector<512xf32>
    %exp3A = math.exp %neg3A_74 : vector<512xf32>
    %add3A_75 = arith.constant 1.000000e+00 : f32
    %add3A_76 = vector.broadcast %add3A_75 : f32 to vector<512xf32>
    %add3A_77 = arith.addf %add3A_76, %exp3A : vector<512xf32>
    %div3A = arith.constant 1.000000e+00 : f32
    %div3A_78 = vector.broadcast %div3A : f32 to vector<512xf32>
    %div3A_79 = arith.divf %div3A_78, %add3A_77 : vector<512xf32>
    %swap3A = arith.constant 0 : index
    %swap3A_80 = vector.load %arg13[%swap3A] : memref<512xf32, #tpu.memory_space<vmem>>, vector<512xf32>
    tpu.vector_store %arg13[%swap3A], %div3A_79 {strides = array<i32>} : memref<512xf32, #tpu.memory_space<vmem>>, vector<512xf32>,
    return
  }
  func.func @transform_0(%arg0: i32) -> (i32, i32) {
    %c0_i32 = arith.constant 0 : i32
    %c0_i32_0 = arith.constant 0 : i32
    return %arg0, %c0_i32 : i32, i32
  }
  func.func @transform_1(%arg0: i32) -> (i32, i32) {
    %c0_i32 = arith.constant 0 : i32
    %c0_i32_0 = arith.constant 0 : i32
    return %arg0, %c0_i32 : i32, i32
  }
  func.func @transform_2(%arg0: i32) -> (i32, i32) {
    %c0_i32 = arith.constant 0 : i32
    %c0_i32_0 = arith.constant 0 : i32
    %c0_i32_1 = arith.constant 0 : i32
    return %c0_i32, %c0_i32_0 : i32, i32
  }
  func.func @transform_3(%arg0: i32) -> (i32, i32) {
    %c0_i32 = arith.constant 0 : i32
    %c0_i32_0 = arith.constant 0 : i32
    %c0_i32_1 = arith.constant 0 : i32
    return %c0_i32, %c0_i32_0 : i32, i32
  }
  func.func @transform_4(%arg0: i32) -> (i32, i32) {
    %c0_i32 = arith.constant 0 : i32
    %c0_i32_0 = arith.constant 0 : i32
    %c0_i32_1 = arith.constant 0 : i32
    return %c0_i32, %c0_i32_0 : i32, i32
  }
  func.func @transform_5(%arg0: i32) -> (i32, i32) {
    %c0_i32 = arith.constant 0 : i32
    %c0_i32_0 = arith.constant 0 : i32
    %c0_i32_1 = arith.constant 0 : i32
    return %c0_i32, %c0_i32_0 : i32, i32
  }
  func.func @transform_6(%arg0: i32) -> (i32, i32) {
    %c0_i32 = arith.constant 0 : i32
    %c0_i32_0 = arith.constant 0 : i32
    %c0_i32_1 = arith.constant 0 : i32
    return %c0_i32, %c0_i32_0 : i32, i32
  }
  func.func @transform_7(%arg0: i32) -> (i32, i32) {
    %c0_i32 = arith.constant 0 : i32
    %c0_i32_0 = arith.constant 0 : i32
    %c0_i32_1 = arith.constant 0 : i32
    return %c0_i32, %c0_i32_0 : i32, i32
  }
  func.func @transform_8(%arg0: i32) -> (i32, i32) {
    %c0_i32 = arith.constant 0 : i32
    %c0_i32_0 = arith.constant 0 : i32
    %c0_i32_1 = arith.constant 0 : i32
    return %c0_i32, %c0_i32_0 : i32, i32
  }
  func.func @transform_9(%arg0: i32) -> (i32, i32) {
    %c0_i32 = arith.constant 0 : i32
    %c0_i32_0 = arith.constant 0 : i32
    %c0_i32_1 = arith.constant 0 : i32
    return %c0_i32, %c0_i32_0 : i32, i32
  }
  func.func @transform_10(%arg0: i32) -> (i32, i32) {
    %c0_i32 = arith.constant 0 : i32
    %c0_i32_0 = arith.constant 0 : i32
    %c0_i32_1 = arith.constant 0 : i32
    return %c0_i32, %c0_i32_0 : i32, i32
  }
  func.func @transform_11(%arg0: i32) -> (i32, i32) {
    %c0_i32 = arith.constant 0 : i32
    %c0_i32_0 = arith.constant 0 : i32
    %c0_i32_1 = arith.constant 0 : i32
    return %c0_i32, %c0_i32_0 : i32, i32
  }
  func.func @transform_12(%arg0: i32) -> i32 {
    %c0_i32 = arith.constant 0 : i32
    return %arg0 : i32
  }
}

</mosaic_0001>

<sc_bundles>
// kernel: kernel.5.cloned.1.call-start
scs
__scs_entry_jumppad:
0x0: {  	(pc) =	sbr.rel $0x88, $3  }
0x1: {  	(tag) =	ssettag $0x0;
	lr =	simm.s32 $0x1  }
0x2: {  	[smem:$0x3F96] =	sst lr;
	_ =	strace $0xD0000000  }
0x3: {  	_ = 	snop  }
0x4: {  	_ = 	snop  }
0x5: {  	_ = 	snop  }
0x6: {  	_ = 	snop  }
0x7: {  	_ = 	snop  }
__scs_overlays_trampoline_lowered:
0x8: {  	[smem:$0x3FA5] =	sst s0  }
0x9: {  	[smem:$0x3FA6] =	sst s1  }
0xa: {  	[smem:$0x3FA7] =	sst s2  }
0xb: {  	[smem:$0x3FA8] =	sst s3  }
0xc: {  	[smem:$0x3FA9] =	sst s4  }
0xd: {  	[smem:$0x3FAA] =	sst s5  }
0xe: {  	[smem:$0x3FAB] =	sst s6  }
0xf: {  	[smem:$0x3FAC] =	sst s7  }
0x10: {  	[smem:$0x3FAD] =	sst s8  }
0x11: {  	[smem:$0x3FAE] =	sst s9;
	s0 =	simm.s32 @!p0 $0x0  }
0x12: {  	s1 =	sld [smem:$0x3F94];
	s0 =	simm.s32 @p0 $0x1  }
0x13: {  	[smem:$0x3FAF] =	sst s0;
	s0 =	simm.s32 @!p1 $0x0  }
0x14: {  	s2 =	sld [smem:$0x3F93];
	s0 =	simm.s32 @p1 $0x1  }
0x15: {  	[smem:$0x3FB0] =	sst s0;
	s0 =	simm.s32 @!p2 $0x0  }
0x16: {  	s3 =	sld [smem:$0x3FDB];
	s0 =	simm.s32 @p2 $0x1  }
0x17: {  	s4 =	simm.s32 $0x1BF5;
	[smem:$0x3FB2] =	sst s0  }
0x18: {  	s0 =	sld [smem:$0x3F95];
	_ =	swait.ge [sflag:s4], $0x0  }
0x19: {  	s7 =	sld [smem:$0x3F96]  }
0x1a: {  	s8 =	sadd.s32 $0xFFFFE003, lr  }
0x1b: {  	s9 =	sadd.s32 $0xFFFFFEF7, lr;
	s5 =	simm.s32 $0xFFFFFFFF;
	p2 =	slt.u32 s8, $0xFFFFF086  }
0x1c: {  	p1 =	slt.u32 s9, $0xF7A;
	s5 =	simm.s32 @!p2 $0x0  }
0x1d: {  	s5 =	simm.s32 @p1 $0x1;
	p0 =	seq.s32 s7, s2  }
0x1e: {  	s7 =	smul.u32 @!p0 $0xF7A, s2;
	p2 =	seq.s32 @!p0 s5, $0x0  }
0x1f: {  	s9 =	smul.u32 $0xF7A, s1;
	s8 =	simm.s32 @!p0 $0x1BF5;
	p2 =	por !p2, p0  }
0x20: {  	[sflag:s8] =	ssyncset.s32 @!p0 $0xFFFFF086;
	s6 =	sadd.s32 @!p0 s3, s7;
	s7 =	simm.s32 @!p0 $0x108  }
0x21: {  	s3 =	sadd.s32 s3, s9;
	s6 =	sadd.s32 @!p0 $0x88, s6;
	s7 =	simm.s32 @p2 $0x1082  }
0x22: {  	[simem:s7], [sflag:s8] =	dma.local @!p0 [hbm:s6], $0xF7A  }
0x23: {  	s9 =	sor.u32 $0xD0000000, s2;
	s6 =	simm.s32 $0x108;
	_ =	swait.ge @!p0 [sflag:s8], $0x0  }
0x24: {  	s3 =	sadd.s32 $0x88, s3;
	s6 =	simm.s32 @!p1 $0x1082;
	[sflag:s4] =	ssyncset.s32 $0xFFFFF086  }
0x25: {  	[simem:s6], [sflag:s4] =	dma.local [hbm:s3], $0xF7A  }
0x26: {  	[smem:$0x3F96] =	sst s1;
	(tag) =	ssettag s2;
	_ =	strace s9  }
0x27: {  	s1 =	sld [smem:$0x3FA6]  }
0x28: {  	s2 =	sld [smem:$0x3FA7]  }
0x29: {  	s4 =	sld [smem:$0x3FA9]  }
0x2a: {  	p0 =	seq.s32 s5, $0x0;
	s5 =	sld [smem:$0x3FAA]  }
0x2b: {  	s6 =	sld [smem:$0x3FAB]  }
0x2c: {  	s7 =	sld [smem:$0x3FAC]  }
0x2d: {  	s3 =	simm.s32 $0x108;
	s8 =	sld [smem:$0x3FAD]  }
0x2e: {  	s3 =	simm.s32 @!p0 $0x1082;
	s9 =	sld [smem:$0x3FAE]  }
0x2f: {  	lr =	sadd.s32 s0, s3;
	s0 =	sld [smem:$0x3FA5]  }
0x30: {  	s3 =	sld [smem:$0x3FA8]  }
0x31: {  	[smem:$0x3FB1] =	sst s10  }
0x32: {  	s10 =	sld [smem:$0x3FAF];
	_ =	sdelay $0x3  }
0x33: {  	p0 =	seq.s32 s10, $0x1;
	s10 =	sld [smem:$0x3FB1];
	_ =	sdelay $0x3  }
0x34: {  	[smem:$0x3FB1] =	sst s10  }
0x35: {  	s10 =	sld [smem:$0x3FB0];
	_ =	sdelay $0x3  }
0x36: {  	p1 =	seq.s32 s10, $0x1;
	s10 =	sld [smem:$0x3FB1];
	_ =	sdelay $0x3  }
0x37: {  	[smem:$0x3FB1] =	sst s10  }
0x38: {  	s10 =	sld [smem:$0x3FB2]  }
0x39: {  	_ = 	snop;
	(pc) =	sbr.ind lr, $3  }
0x3a: {  	_ = 	snop  }
0x3b: {  	_ = 	snop  }
0x3c: {  	p2 =	seq.s32 s10, $0x1;
	s10 =	sld [smem:$0x3FB1]  }
0x3d: {  	_ =	shalt  }
0x3e: {  	_ =	shalt  }
0x3f: {  	_ =	shalt  }
0x40: {  	_ =	shalt  }
0x41: {  	_ =	shalt  }
0x42: {  	_ =	shalt  }
0x43: {  	_ =	shalt  }
0x44: {  	_ =	shalt  }
0x45: {  	_ =	shalt  }
0x46: {  	_ =	shalt  }
0x47: {  	_ =	shalt  }
0x48: {  	_ =	shalt  }
0x49: {  	_ =	shalt  }
0x4a: {  	_ =	shalt  }
0x4b: {  	_ =	shalt  }
0x4c: {  	_ =	shalt  }
0x4d: {  	_ =	shalt  }
0x4e: {  	_ =	shalt  }
0x4f: {  	_ =	shalt  }
0x50: {  	_ =	shalt  }
0x51: {  	_ =	shalt  }
0x52: {  	_ =	shalt  }
0x53: {  	_ =	shalt  }
0x54: {  	_ =	shalt  }
0x55: {  	_ =	shalt  }
0x56: {  	_ =	shalt  }
0x57: {  	_ =	shalt  }
0x58: {  	_ =	shalt  }
0x59: {  	_ =	shalt  }
0x5a: {  	_ =	shalt  }
0x5b: {  	_ =	shalt  }
0x5c: {  	_ =	shalt  }
0x5d: {  	_ =	shalt  }
0x5e: {  	_ =	shalt  }
0x5f: {  	_ =	shalt  }
0x60: {  	_ =	shalt  }
0x61: {  	_ =	shalt  }
0x62: {  	_ =	shalt  }
0x63: {  	_ =	shalt  }
0x64: {  	_ =	shalt  }
0x65: {  	_ =	shalt  }
0x66: {  	_ =	shalt  }
0x67: {  	_ =	shalt  }
0x68: {  	_ =	shalt  }
0x69: {  	_ =	shalt  }
0x6a: {  	_ =	shalt  }
0x6b: {  	_ =	shalt  }
0x6c: {  	_ =	shalt  }
0x6d: {  	_ =	shalt  }
0x6e: {  	_ =	shalt  }
0x6f: {  	_ =	shalt  }
0x70: {  	_ =	shalt  }
0x71: {  	_ =	shalt  }
0x72: {  	_ =	shalt  }
0x73: {  	_ =	shalt  }
0x74: {  	_ =	shalt  }
0x75: {  	_ =	shalt  }
0x76: {  	_ =	shalt  }
0x77: {  	_ =	shalt  }
0x78: {  	_ =	shalt  }
0x79: {  	_ =	shalt  }
0x7a: {  	_ =	shalt  }
0x7b: {  	_ =	shalt  }
0x7c: {  	_ =	shalt  }
0x7d: {  	_ =	shalt  }
0x7e: {  	_ =	shalt  }
0x7f: {  	_ =	shalt  }
0x80: {  	_ =	shalt  }
0x81: {  	_ =	shalt  }
0x82: {  	_ =	shalt  }
0x83: {  	_ =	shalt  }
0x84: {  	_ =	shalt  }
0x85: {  	_ =	shalt  }
0x86: {  	_ =	shalt  }
0x87: {  	_ =	shalt  }
.Lfunc_end0:
.L_simem_size_0:
called_computation_lowered:
.L_overlay_start_0:
0x88: {  	s2 =	sld [smem:$0x3FD9]  }
0x89: {  	s3 =	sld [smem:$0x3FFE];
	_ =	sdelay $0x1  }
0x8a: {  	s1 =	srdreg.scid  }
0x8b: {  	s0 =	sand.u32 $0x1, s1  }
0x8c: {  	s16 =	sshll.u32 s0, $0xA;
	s2 =	sadd.s32 s3, s2  }
0x8d: {  	s2 =	sadd.s32 s2, s16  }
0x8e: {  	[smem:$0x3FBD] =	sst s2  }
0x8f: {  	_ = 	snop  }
0x90: {  	(tm) =	ssettm $0x1  }
0x91: {  	s17 =	sld [smem:$0x3FFB];
	_ =	sdelay $0x3  }
0x92: {  	_ =	strace s17  }
0x93: {  	s2 =	sld [smem:$0x3FFC];
	_ =	sdelay $0x3  }
0x94: {  	_ =	strace s2  }
0x95: {  	s2 =	sld [smem:$0x3FFD];
	_ =	sdelay $0x3  }
0x96: {  	_ =	strace s2  }
0x97: {  	_ =	strace $0x8FFFFFFF  }
0x98: {  	s18 =	sld [smem:$0x3FDB];
	_ =	sdelay $0x1  }
0x99: {  	s19 =	simm.s32 $_scs_section_size  }
0x9a: {  	s4 =	simm.s32 $_size__tile_overlayer_lowered;
	s5 =	simm.s32 $_tile_overlayer_lowered  }
0x9b: {  	s22 =	simm.s32 $0x1BFF;
	s21 =	sshll.u32 s5, $0x1;
	s2 =	sadd.s32 s19, s18  }
0x9c: {  	s6 =	simm.s32 $0x0;
	s20 =	sshll.u32 s4, $0x1;
	s4 =	sadd.s32 s21, s2  }
0x9d: {  	[timem:s6], [sflag:s22] =	dma.local [hbm:s4], s20  }
0x9e: {  	_ =	swait.ge [sflag:s22], s20  }
0x9f: {  	s3 =	ssub.s32 $0x0, s20;
	[sflag:s22] =	ssyncset.done $0x0  }
0xa0: {  	[sflag:s22] =	ssyncadd.s32 s3;
	_ =	sdelay $0x1  }
0xa1: {  	s23 =	simm.s32 $0x1B8B  }
0xa2: {  	_ =	swait.ge [sflag:s23], $0x1  }
0xa3: {  	[sflag:s23] =	ssyncset.done $0x0  }
0xa4: {  	s25 =	simm.s32 $0x1B8E;
	s24 =	sld [smem:$0x3FFE];
	[sflag:s23] =	ssyncadd.s32 $0xFFFFFFFF  }
0xa5: {  	s26 =	simm.s32 $execute0_lowered;
	[smem:$0x3FD2] =	sst s25  }
0xa6: {  	s4 =	sshll.u32 s26, $0x1;
	_ =	strace $0x80000046;
	[dreg:$0x1] =	wrdreg $0xFFFFFFFF  }
0xa7: {  	s28 =	simm.s32 $_size_execute0_lowered;
	s2 =	sadd.s32 s2, s4;
	[dreg:$0x0] =	wrdreg $0x0  }
0xa8: {  	s4 =	sshll.u32 s28, $0x1;
	[dreg:$0x2] =	wrdreg s2  }
0xa9: {  	[dreg:$0x3] =	wrdreg s4  }
0xaa: {  	[dreg:$0x4] =	wrdreg $0xC0  }
0xab: {  	_ =	task [dreg:s6], $0x5FFFF  }
0xac: {  	[dreg:$0x1] =	wrdreg $0xFFFFFFFF  }
0xad: {  	[dreg:$0x0] =	wrdreg $0x60  }
0xae: {  	[dreg:$0x2] =	wrdreg s24  }
0xaf: {  	[dreg:$0x3] =	wrdreg $0x9  }
0xb0: {  	_ =	task.clear_ibuf [dreg:s6], $0x4FFFF;
	_ =	strace $0x90000046  }
0xb1: {  	s29 =	simm.s32 $0x9;
	_ =	strace $0x80000048  }
0xb2: {  	_ =	swait.ge [sflag:s29], $0x1  }
0xb3: {  	[sflag:s29] =	ssyncadd.s32 $0xFFFFFFFF  }
0xb4: {  	_ =	strace $0x90000048  }
0xb5: {  	_ =	sfence  }
0xb6: {  	s30 =	sld [smem:$0x0];
	_ =	sdelay $0x2  }
0xb7: {  	s31 =	sshll.u32 s1, $0xD;
	s1 =	sshrl.u32 s1, $0x2  }
0xb8: {  	s3 =	sand.u32 $0x4000, s31;
	s1 =	sadd.s32 s1, s30  }
0xb9: {  	s0 =	sor.u32 s3, s0;
	s1 =	sshll.u32 s1, $0x11  }
0xba: {  	s0 =	sor.u32 s1, s0  }
0xbb: {  	s0 =	sadd.s32 $0x8F2B, s0  }
0xbc: {  	[sflag:s0] =	ssyncadd.remote.s32 $0x1  }
0xbd: {  	_ =	sfence.sel $0xFFFF  }
0xbe: {  	[dreg:$0x0] =	wrdreg $0xFFFFFFFF;
	(pc) =	sbr.abs _section_cstart, $3  }
0xbf: {  	[dreg:$0x1] =	wrdreg $0xFFFFFFFF  }
0xc0: {  	_ =	task.clear_ibuf [dreg:s6], $0x2FFFF;
	_ =	strace $0x9FFFFFFF  }
0xc1: {  	(tm) =	ssettm $0x7FFFFFFF  }
tec
execute0_lowered:
.L_overlay_start_1:
0x0: {  	(tag) =	ssettag $0x1  }
0x1: {  	s4 =	rddreg [dreg:$0x0]  }
0x2: {  	s2 =	simm.s32 $0x0;
	s3 =	srdreg.scid;
	s1 =	stileid.u32  }
0x3: {  	s9 =	simm.s32 $0x2580;
	s10 =	simm.s32 $0x3200;
	s11 =	simm.s32 $0x3E80  }
0x4: {  	s12 =	simm.s32 $0x4B00;
	s13 =	simm.s32 $0x5780;
	s14 =	simm.s32 $0x6400  }
0x5: {  	s15 =	simm.s32 $0x7080;
	s16 =	simm.s32 $0x7D00;
	s17 =	simm.s32 $0x8980  }
0x6: {  	s18 =	simm.s32 $0x9600;
	s19 =	simm.s32 $0xA280;
	s20 =	simm.s32 $0xAF00  }
0x7: {  	s21 =	simm.s32 $0xBB80;
	s22 =	simm.s32 $0x1;
	s23 =	simm.s32 $0xC800  }
0x8: {  	s24 =	simm.s32 $0x2;
	s25 =	simm.s32 $0x3;
	s26 =	simm.s32 $0x0  }
.Ltmp0:
0x9: {  	[smem:$0x7FF] =	sst s2;
	s5 =	sand.u32 $0x1, s3;
	(pc) =	sbr.rel .LBB2_1-.Ltmp0, $4  }
0xa: {  	s7 =	sshll.u32 s1, $0x1;
	s3 =	sadd.s32 $0x1C00, s4;
	s6 =	ssub.s32 $0x2, s5  }
0xb: {  	s4 =	sadd.s32 $0x4F7600, s4;
	_ =	strace $0x80000047;
	s8 =	sshrl.u32 s6, $0x1  }
0xc: {  	s5 =	sor.u32 s5, s7;
	s7 =	simm.s32 $0xC80;
	s6 =	ssub.s32 s6, s8  }
0xd: {  	s5 =	smul.u32 $0x1A, s5;
	s8 =	simm.s32 $0x1900;
	s6 =	smax.u32 s6, $0x1  }
.LBB2_6:
0xe: {  	s26 =	sadd.s32 $0x1, s26  }
0xf: {  	p0 =	sne.s32 s26, s6  }
.Ltmp1:
0x10: {  	_ = 	snop;
	(pc) =	sbr.rel @!p0 .LBB2_7-.Ltmp1, $1  }
0x11: {  	_ =	sdelay $0x3  }
.LBB2_1:
.Ltmp2:
0x12: {  	(pc) =	sbr.rel .LBB2_2-.Ltmp2, $2  }
0x13: {  	_ =	sdelay $0x2  }
0x14: {  	s28 =	simm.s32 $0x0  }
.LBB2_4:
0x15: {  	s29 =	sshrl.u32 s29, $0x3  }
0x16: {  	s0 =	sadd.s32 s3, s29  }
0x17: {  	s30 =	sadd.s32 $0x3070, s0  }
0x18: {  	[tilespmem:s2], [sflag:$0x1] =	stream.linear.gather [hbm4b:s30+s2], $0x320, $0x38;
	[tilespmem:$0x19000] =	vst v63  }
0x19: {  	s31 =	sadd.s32 $0x6144, s0  }
0x1a: {  	[tilespmem:s7], [sflag:$0x1] =	stream.linear.gather [hbm4b:s31+s2], $0x320, $0x38;
	[tilespmem:$0x19000] =	vst v63  }
0x1b: {  	s31 =	sadd.s32 $0x9218, s0  }
0x1c: {  	[tilespmem:s8], [sflag:$0x1] =	stream.linear.gather [hbm4b:s31+s2], $0x320, $0x38;
	[tilespmem:$0x19000] =	vst v63  }
0x1d: {  	s31 =	sadd.s32 $0xC2EC, s0  }
0x1e: {  	[tilespmem:s9], [sflag:$0x1] =	stream.linear.gather [hbm4b:s31+s2], $0x320, $0x38;
	[tilespmem:$0x19000] =	vst v63  }
0x1f: {  	s31 =	sadd.s32 $0xF3C0, s0  }
0x20: {  	[tilespmem:s10], [sflag:$0x1] =	stream.linear.gather [hbm4b:s31+s2], $0x320, $0x38;
	[tilespmem:$0x19000] =	vst v63  }
0x21: {  	s31 =	sadd.s32 $0x12494, s0  }
0x22: {  	[tilespmem:s11], [sflag:$0x1] =	stream.linear.gather [hbm4b:s31+s2], $0x320, $0x38;
	[tilespmem:$0x19000] =	vst v63  }
0x23: {  	s31 =	sadd.s32 $0x15568, s0  }
0x24: {  	[tilespmem:s12], [sflag:$0x1] =	stream.linear.gather [hbm4b:s31+s2], $0x320, $0x38;
	[tilespmem:$0x19000] =	vst v63  }
0x25: {  	s31 =	sadd.s32 $0x1863C, s0  }
0x26: {  	[tilespmem:s13], [sflag:$0x1] =	stream.linear.gather [hbm4b:s31+s2], $0x320, $0x38;
	[tilespmem:$0x19000] =	vst v63  }
0x27: {  	s31 =	sadd.s32 $0x1B710, s0  }
0x28: {  	[tilespmem:s14], [sflag:$0x1] =	stream.linear.gather [hbm4b:s31+s2], $0x320, $0x38;
	[tilespmem:$0x19000] =	vst v63  }
0x29: {  	s31 =	sadd.s32 $0x1E7E4, s0  }
0x2a: {  	[tilespmem:s15], [sflag:$0x1] =	stream.linear.gather [hbm4b:s31+s2], $0x320, $0x38;
	[tilespmem:$0x19000] =	vst v63  }
0x2b: {  	s31 =	sadd.s32 $0x218B8, s0  }
0x2c: {  	[tilespmem:s16], [sflag:$0x1] =	stream.linear.gather [hbm4b:s31+s2], $0x320, $0x38;
	[tilespmem:$0x19000] =	vst v63  }
0x2d: {  	s31 =	sadd.s32 $0x2498C, s0  }
0x2e: {  	[tilespmem:s17], [sflag:$0x1] =	stream.linear.gather [hbm4b:s31+s2], $0x320, $0x38;
	[tilespmem:$0x19000] =	vst v63  }
0x2f: {  	s31 =	sadd.s32 $0x27A60, s0  }
0x30: {  	[tilespmem:s18], [sflag:$0x1] =	stream.linear.gather [hbm4b:s31+s2], $0x320, $0x38;
	[tilespmem:$0x19000] =	vst v63  }
0x31: {  	s31 =	sadd.s32 $0x2AB34, s0  }
0x32: {  	[tilespmem:s19], [sflag:$0x1] =	stream.linear.gather [hbm4b:s31+s2], $0x320, $0x38;
	[tilespmem:$0x19000] =	vst v63  }
0x33: {  	s31 =	sadd.s32 $0x2DC08, s0  }
0x34: {  	[tilespmem:s20], [sflag:$0x1] =	stream.linear.gather [hbm4b:s31+s2], $0x320, $0x38;
	[tilespmem:$0x19000] =	vst v63  }
0x35: {  	s0 =	sadd.s32 $0x30CDC, s0  }
0x36: {  	[tilespmem:s21], [sflag:$0x1] =	stream.linear.gather [hbm4b:s0+s2], $0x320, $0x38;
	[tilespmem:$0x19000] =	vst v63  }
0x37: {  	_ =	swait.ge [sflag:s22], $0x320  }
0x38: {  	[sflag:s22] =	ssyncset.done $0x0  }
0x39: {  	[sflag:s22] =	ssyncadd.s32 $0xFFFFFCE0  }
0x3a: {  	_ =	swait.ge [sflag:s22], $0x320  }
0x3b: {  	[sflag:s22] =	ssyncset.done $0x0  }
0x3c: {  	[sflag:s22] =	ssyncadd.s32 $0xFFFFFCE0  }
0x3d: {  	_ =	swait.ge [sflag:s22], $0x320  }
0x3e: {  	[sflag:s22] =	ssyncset.done $0x0  }
0x3f: {  	[sflag:s22] =	ssyncadd.s32 $0xFFFFFCE0  }
0x40: {  	_ =	swait.ge [sflag:s22], $0x320  }
0x41: {  	[sflag:s22] =	ssyncset.done $0x0  }
0x42: {  	[sflag:s22] =	ssyncadd.s32 $0xFFFFFCE0  }
0x43: {  	_ =	swait.ge [sflag:s22], $0x320  }
0x44: {  	[sflag:s22] =	ssyncset.done $0x0  }
0x45: {  	[sflag:s22] =	ssyncadd.s32 $0xFFFFFCE0  }
0x46: {  	_ =	swait.ge [sflag:s22], $0x320  }
0x47: {  	[sflag:s22] =	ssyncset.done $0x0  }
0x48: {  	[sflag:s22] =	ssyncadd.s32 $0xFFFFFCE0  }
0x49: {  	_ =	swait.ge [sflag:s22], $0x320  }
0x4a: {  	[sflag:s22] =	ssyncset.done $0x0  }
0x4b: {  	[sflag:s22] =	ssyncadd.s32 $0xFFFFFCE0  }
0x4c: {  	_ =	swait.ge [sflag:s22], $0x320  }
0x4d: {  	[sflag:s22] =	ssyncset.done $0x0  }
0x4e: {  	[sflag:s22] =	ssyncadd.s32 $0xFFFFFCE0  }
0x4f: {  	_ =	swait.ge [sflag:s22], $0x320  }
0x50: {  	[sflag:s22] =	ssyncset.done $0x0  }
0x51: {  	[sflag:s22] =	ssyncadd.s32 $0xFFFFFCE0  }
0x52: {  	_ =	swait.ge [sflag:s22], $0x320  }
0x53: {  	[sflag:s22] =	ssyncset.done $0x0  }
0x54: {  	[sflag:s22] =	ssyncadd.s32 $0xFFFFFCE0  }
0x55: {  	_ =	swait.ge [sflag:s22], $0x320  }
0x56: {  	[sflag:s22] =	ssyncset.done $0x0  }
0x57: {  	[sflag:s22] =	ssyncadd.s32 $0xFFFFFCE0  }
0x58: {  	_ =	swait.ge [sflag:s22], $0x320  }
0x59: {  	[sflag:s22] =	ssyncset.done $0x0  }
0x5a: {  	[sflag:s22] =	ssyncadd.s32 $0xFFFFFCE0  }
0x5b: {  	_ =	swait.ge [sflag:s22], $0x320  }
0x5c: {  	[sflag:s22] =	ssyncset.done $0x0  }
0x5d: {  	[sflag:s22] =	ssyncadd.s32 $0xFFFFFCE0  }
0x5e: {  	_ =	swait.ge [sflag:s22], $0x320  }
0x5f: {  	[sflag:s22] =	ssyncset.done $0x0  }
0x60: {  	[sflag:s22] =	ssyncadd.s32 $0xFFFFFCE0  }
0x61: {  	_ =	swait.ge [sflag:s22], $0x320  }
0x62: {  	[sflag:s22] =	ssyncset.done $0x0  }
0x63: {  	[sflag:s22] =	ssyncadd.s32 $0xFFFFFCE0  }
0x64: {  	_ =	swait.ge [sflag:s22], $0x320  }
0x65: {  	s31 =	sadd.s32 s4, s29;
	[sflag:s22] =	ssyncset.done $0x0  }
0x66: {  	s0 =	sadd.s32 $0x30700, s31;
	[sflag:s22] =	ssyncadd.s32 $0xFFFFFCE0  }
0x67: {  	[hbm4b:s0+s2] =	stream.linear.scatter [tilespmem:s23], [sflag:$0x2], $0x3200, $0x38;
	[tilespmem:$0x19000] =	vst v63  }
0x68: {  	_ =	swait.ge [sflag:s24], $0x3200  }
0x69: {  	[sflag:s24] =	ssyncset.done $0x0  }
0x6a: {  	[sflag:s24] =	ssyncadd.s32 $0xFFFFCE00  }
.LBB2_5:
0x6b: {  	s28 =	sadd.s32 $0x1, s28  }
0x6c: {  	p0 =	sne.s32 s28, $0x1A  }
.Ltmp3:
0x6d: {  	_ = 	snop;
	(pc) =	sbr.rel @!p0 .LBB2_6-.Ltmp3, $1  }
0x6e: {  	_ =	sdelay $0x3  }
.LBB2_2:
0x6f: {  	s29 =	sadd.s32 s28, s5  }
0x70: {  	s30 =	sand.u32 $0x1F, s29  }
0x71: {  	p0 =	seq.s32 s30, $0x1F  }
.Ltmp4:
0x72: {  	_ = 	snop;
	(pc) =	sbr.rel @p0 .LBB2_4-.Ltmp4, $3  }
0x73: {  	_ = 	snop  }
0x74: {  	s29 =	sshrl.u32 s29, $0x5  }
0x75: {  	s29 =	smul.u32 $0x186A00, s29;
	_ =	sdelay $0x1  }
0x76: {  	s31 =	smul.u32 $0xC80, s30;
	_ =	sdelay $0x1  }
0x77: {  	s31 =	sadd.s32 s31, s29  }
0x78: {  	s31 =	sshrl.u32 s31, $0x3  }
0x79: {  	s31 =	sadd.s32 s3, s31  }
0x7a: {  	[tilespmem:s2], [sflag:$0x1] =	stream.linear.gather [hbm4b:s31+s2], $0xC80, $0x38;
	[tilespmem:$0x19000] =	vst v63  }
0x7b: {  	s0 =	sadd.s32 $0x30D4, s31  }
0x7c: {  	[tilespmem:s7], [sflag:$0x1] =	stream.linear.gather [hbm4b:s0+s2], $0xC80, $0x38;
	[tilespmem:$0x19000] =	vst v63  }
0x7d: {  	s0 =	sadd.s32 $0x61A8, s31  }
0x7e: {  	[tilespmem:s8], [sflag:$0x1] =	stream.linear.gather [hbm4b:s0+s2], $0xC80, $0x38;
	[tilespmem:$0x19000] =	vst v63  }
0x7f: {  	s0 =	sadd.s32 $0x927C, s31  }
0x80: {  	[tilespmem:s9], [sflag:$0x1] =	stream.linear.gather [hbm4b:s0+s2], $0xC80, $0x38;
	[tilespmem:$0x19000] =	vst v63  }
0x81: {  	s0 =	sadd.s32 $0xC350, s31  }
0x82: {  	[tilespmem:s10], [sflag:$0x1] =	stream.linear.gather [hbm4b:s0+s2], $0xC80, $0x38;
	[tilespmem:$0x19000] =	vst v63  }
0x83: {  	s0 =	sadd.s32 $0xF424, s31  }
0x84: {  	[tilespmem:s11], [sflag:$0x1] =	stream.linear.gather [hbm4b:s0+s2], $0xC80, $0x38;
	[tilespmem:$0x19000] =	vst v63  }
0x85: {  	s0 =	sadd.s32 $0x124F8, s31  }
0x86: {  	[tilespmem:s12], [sflag:$0x1] =	stream.linear.gather [hbm4b:s0+s2], $0xC80, $0x38;
	[tilespmem:$0x19000] =	vst v63  }
0x87: {  	s0 =	sadd.s32 $0x155CC, s31  }
0x88: {  	[tilespmem:s13], [sflag:$0x1] =	stream.linear.gather [hbm4b:s0+s2], $0xC80, $0x38;
	[tilespmem:$0x19000] =	vst v63  }
0x89: {  	s0 =	sadd.s32 $0x186A0, s31  }
0x8a: {  	[tilespmem:s14], [sflag:$0x1] =	stream.linear.gather [hbm4b:s0+s2], $0xC80, $0x38;
	[tilespmem:$0x19000] =	vst v63  }
0x8b: {  	s0 =	sadd.s32 $0x1B774, s31  }
0x8c: {  	[tilespmem:s15], [sflag:$0x1] =	stream.linear.gather [hbm4b:s0+s2], $0xC80, $0x38;
	[tilespmem:$0x19000] =	vst v63  }
0x8d: {  	s0 =	sadd.s32 $0x1E848, s31  }
0x8e: {  	[tilespmem:s16], [sflag:$0x1] =	stream.linear.gather [hbm4b:s0+s2], $0xC80, $0x38;
	[tilespmem:$0x19000] =	vst v63  }
0x8f: {  	s0 =	sadd.s32 $0x2191C, s31  }
0x90: {  	[tilespmem:s17], [sflag:$0x1] =	stream.linear.gather [hbm4b:s0+s2], $0xC80, $0x38;
	[tilespmem:$0x19000] =	vst v63  }
0x91: {  	s0 =	sadd.s32 $0x249F0, s31  }
0x92: {  	[tilespmem:s18], [sflag:$0x1] =	stream.linear.gather [hbm4b:s0+s2], $0xC80, $0x38;
	[tilespmem:$0x19000] =	vst v63  }
0x93: {  	s0 =	sadd.s32 $0x27AC4, s31  }
0x94: {  	[tilespmem:s19], [sflag:$0x1] =	stream.linear.gather [hbm4b:s0+s2], $0xC80, $0x38;
	[tilespmem:$0x19000] =	vst v63  }
0x95: {  	s0 =	sadd.s32 $0x2AB98, s31  }
0x96: {  	[tilespmem:s20], [sflag:$0x1] =	stream.linear.gather [hbm4b:s0+s2], $0xC80, $0x38;
	[tilespmem:$0x19000] =	vst v63  }
0x97: {  	s31 =	sadd.s32 $0x2DC6C, s31  }
0x98: {  	[tilespmem:s21], [sflag:$0x1] =	stream.linear.gather [hbm4b:s31+s2], $0xC80, $0x38;
	[tilespmem:$0x19000] =	vst v63  }
0x99: {  	_ =	swait.ge [sflag:s22], $0xC80  }
0x9a: {  	[sflag:s22] =	ssyncset.done $0x0  }
0x9b: {  	[sflag:s22] =	ssyncadd.s32 $0xFFFFF380  }
0x9c: {  	_ =	swait.ge [sflag:s22], $0xC80  }
0x9d: {  	[sflag:s22] =	ssyncset.done $0x0  }
0x9e: {  	[sflag:s22] =	ssyncadd.s32 $0xFFFFF380  }
0x9f: {  	_ =	swait.ge [sflag:s22], $0xC80  }
0xa0: {  	[sflag:s22] =	ssyncset.done $0x0  }
0xa1: {  	[sflag:s22] =	ssyncadd.s32 $0xFFFFF380  }
0xa2: {  	_ =	swait.ge [sflag:s22], $0xC80  }
0xa3: {  	[sflag:s22] =	ssyncset.done $0x0  }
0xa4: {  	[sflag:s22] =	ssyncadd.s32 $0xFFFFF380  }
0xa5: {  	_ =	swait.ge [sflag:s22], $0xC80  }
0xa6: {  	[sflag:s22] =	ssyncset.done $0x0  }
0xa7: {  	[sflag:s22] =	ssyncadd.s32 $0xFFFFF380  }
0xa8: {  	_ =	swait.ge [sflag:s22], $0xC80  }
0xa9: {  	[sflag:s22] =	ssyncset.done $0x0  }
0xaa: {  	[sflag:s22] =	ssyncadd.s32 $0xFFFFF380  }
0xab: {  	_ =	swait.ge [sflag:s22], $0xC80  }
0xac: {  	[sflag:s22] =	ssyncset.done $0x0  }
0xad: {  	[sflag:s22] =	ssyncadd.s32 $0xFFFFF380  }
0xae: {  	_ =	swait.ge [sflag:s22], $0xC80  }
0xaf: {  	[sflag:s22] =	ssyncset.done $0x0  }
0xb0: {  	[sflag:s22] =	ssyncadd.s32 $0xFFFFF380  }
0xb1: {  	_ =	swait.ge [sflag:s22], $0xC80  }
0xb2: {  	[sflag:s22] =	ssyncset.done $0x0  }
0xb3: {  	[sflag:s22] =	ssyncadd.s32 $0xFFFFF380  }
0xb4: {  	_ =	swait.ge [sflag:s22], $0xC80  }
0xb5: {  	[sflag:s22] =	ssyncset.done $0x0  }
0xb6: {  	[sflag:s22] =	ssyncadd.s32 $0xFFFFF380  }
0xb7: {  	_ =	swait.ge [sflag:s22], $0xC80  }
0xb8: {  	[sflag:s22] =	ssyncset.done $0x0  }
0xb9: {  	[sflag:s22] =	ssyncadd.s32 $0xFFFFF380  }
0xba: {  	_ =	swait.ge [sflag:s22], $0xC80  }
0xbb: {  	[sflag:s22] =	ssyncset.done $0x0  }
0xbc: {  	[sflag:s22] =	ssyncadd.s32 $0xFFFFF380  }
0xbd: {  	_ =	swait.ge [sflag:s22], $0xC80  }
0xbe: {  	[sflag:s22] =	ssyncset.done $0x0  }
0xbf: {  	[sflag:s22] =	ssyncadd.s32 $0xFFFFF380  }
0xc0: {  	_ =	swait.ge [sflag:s22], $0xC80  }
0xc1: {  	[sflag:s22] =	ssyncset.done $0x0  }
0xc2: {  	[sflag:s22] =	ssyncadd.s32 $0xFFFFF380  }
0xc3: {  	_ =	swait.ge [sflag:s22], $0xC80  }
0xc4: {  	s31 =	smul.u32 $0xC800, s30;
	[sflag:s22] =	ssyncset.done $0x0  }
0xc5: {  	[sflag:s22] =	ssyncadd.s32 $0xFFFFF380  }
0xc6: {  	s0 =	sadd.s32 s31, s29;
	_ =	swait.ge [sflag:s22], $0xC80  }
0xc7: {  	s0 =	sshrl.u32 s0, $0x3;
	[sflag:s22] =	ssyncset.done $0x0  }
.Ltmp5:
0xc8: {  	s0 =	sadd.s32 s4, s0;
	[sflag:s22] =	ssyncadd.s32 $0xFFFFF380;
	(pc) =	sbr.rel .LBB2_5-.Ltmp5, $4  }
0xc9: {  	[hbm4b:s0+s2] =	stream.linear.scatter [tilespmem:s23], [sflag:$0x3], $0xC800, $0x38;
	[tilespmem:$0x19000] =	vst v63  }
0xca: {  	_ =	swait.ge [sflag:s25], $0xC800  }
0xcb: {  	[sflag:s25] =	ssyncset.done $0x0  }
0xcc: {  	[sflag:s25] =	ssyncadd.s32 $0xFFFF3800  }
.LBB2_7:
0xcd: {  	_ =	sfence.sel $0x180000  }
0xce: {  	[bflag:$0x0] =	sbarrier.arrive $0xFFFF  }
0xcf: {  	_ =	strace $0x90000047  }
0xd0: {  	[bflag:$0x2] =	sbarrier.arrive $0xFFFF  }
0xd1: {  	p0 =	sne.s32 s1, $0x0;
	s0 =	rddreg [dreg:$0x1]  }
0xd2: {  	s0 =	sadd.s32 @!p0 $0x100000, s0  }
0xd3: {  	[sflag:s0] =	ssyncadd.tile.s32 @!p0 $0x1;
	_ =	shalt  }
.Lfunc_end2:
_tile_overlayer_lowered:
.L_overlay_start_2:
0xd4: {  	(tag) =	ssettag $0x2  }
0xd5: {  	s0 =	rddreg [dreg:$0x0];
	s2 =	stileid.u32  }
0xd6: {  	s1 =	rddreg [dreg:$0x1];
	p0 =	sne.s32 s2, $0x0  }
0xd7: {  	s3 =	rddreg [dreg:$0x2];
	[bflag:$0x3] =	sbarrier.arrive $0xFFFF;
	s2 =	simm.s32 @!p0 $0x1C02  }
0xd8: {  	[timem:s3], [sflag:s2] =	dma.local @!p0 [hbm:s0], s1  }
0xd9: {  	s0 =	simm.s32 @!p0 $0x2  }
0xda: {  	_ =	swait.ge @!p0 [sflag:s0], s1  }
0xdb: {  	s1 =	ssub.s32 @!p0 $0x0, s1;
	[sflag:s0] =	ssyncset.done @!p0 $0x0  }
0xdc: {  	[sflag:s0] =	ssyncadd.s32 @!p0 s1  }
0xdd: {  	[bflag:$0x3] =	sbarrier.arrive $0xFFFF  }
0xde: {  	_ =	shalt  }

// kernel: kernel.8.cloned.1.call-start
scs
__scs_entry_jumppad:
0x0: {  	(pc) =	sbr.rel $0x88, $3  }
0x1: {  	(tag) =	ssettag $0x0;
	lr =	simm.s32 $0x1  }
0x2: {  	[smem:$0x3F96] =	sst lr;
	_ =	strace $0xD0000000  }
0x3: {  	_ = 	snop  }
0x4: {  	_ = 	snop  }
0x5: {  	_ = 	snop  }
0x6: {  	_ = 	snop  }
0x7: {  	_ = 	snop  }
__scs_overlays_trampoline_lowered:
0x8: {  	[smem:$0x3FA5] =	sst s0  }
0x9: {  	[smem:$0x3FA6] =	sst s1  }
0xa: {  	[smem:$0x3FA7] =	sst s2  }
0xb: {  	[smem:$0x3FA8] =	sst s3  }
0xc: {  	[smem:$0x3FA9] =	sst s4  }
0xd: {  	[smem:$0x3FAA] =	sst s5  }
0xe: {  	[smem:$0x3FAB] =	sst s6  }
0xf: {  	[smem:$0x3FAC] =	sst s7  }
0x10: {  	[smem:$0x3FAD] =	sst s8  }
0x11: {  	[smem:$0x3FAE] =	sst s9;
	s0 =	simm.s32 @!p0 $0x0  }
0x12: {  	s1 =	sld [smem:$0x3F94];
	s0 =	simm.s32 @p0 $0x1  }
0x13: {  	[smem:$0x3FAF] =	sst s0;
	s0 =	simm.s32 @!p1 $0x0  }
0x14: {  	s2 =	sld [smem:$0x3F93];
	s0 =	simm.s32 @p1 $0x1  }
0x15: {  	[smem:$0x3FB0] =	sst s0;
	s0 =	simm.s32 @!p2 $0x0  }
0x16: {  	s3 =	sld [smem:$0x3FDB];
	s0 =	simm.s32 @p2 $0x1  }
0x17: {  	s4 =	simm.s32 $0x1BF5;
	[smem:$0x3FB2] =	sst s0  }
0x18: {  	s0 =	sld [smem:$0x3F95];
	_ =	swait.ge [sflag:s4], $0x0  }
0x19: {  	s7 =	sld [smem:$0x3F96]  }
0x1a: {  	s8 =	sadd.s32 $0xFFFFE003, lr  }
0x1b: {  	s9 =	sadd.s32 $0xFFFFFEF7, lr;
	s5 =	simm.s32 $0xFFFFFFFF;
	p2 =	slt.u32 s8, $0xFFFFF086  }
0x1c: {  	p1 =	slt.u32 s9, $0xF7A;
	s5 =	simm.s32 @!p2 $0x0  }
0x1d: {  	s5 =	simm.s32 @p1 $0x1;
	p0 =	seq.s32 s7, s2  }
0x1e: {  	s7 =	smul.u32 @!p0 $0xF7A, s2;
	p2 =	seq.s32 @!p0 s5, $0x0  }
0x1f: {  	s9 =	smul.u32 $0xF7A, s1;
	s8 =	simm.s32 @!p0 $0x1BF5;
	p2 =	por !p2, p0  }
0x20: {  	[sflag:s8] =	ssyncset.s32 @!p0 $0xFFFFF086;
	s6 =	sadd.s32 @!p0 s3, s7;
	s7 =	simm.s32 @!p0 $0x108  }
0x21: {  	s3 =	sadd.s32 s3, s9;
	s6 =	sadd.s32 @!p0 $0x88, s6;
	s7 =	simm.s32 @p2 $0x1082  }
0x22: {  	[simem:s7], [sflag:s8] =	dma.local @!p0 [hbm:s6], $0xF7A  }
0x23: {  	s9 =	sor.u32 $0xD0000000, s2;
	s6 =	simm.s32 $0x108;
	_ =	swait.ge @!p0 [sflag:s8], $0x0  }
0x24: {  	s3 =	sadd.s32 $0x88, s3;
	s6 =	simm.s32 @!p1 $0x1082;
	[sflag:s4] =	ssyncset.s32 $0xFFFFF086  }
0x25: {  	[simem:s6], [sflag:s4] =	dma.local [hbm:s3], $0xF7A  }
0x26: {  	[smem:$0x3F96] =	sst s1;
	(tag) =	ssettag s2;
	_ =	strace s9  }
0x27: {  	s1 =	sld [smem:$0x3FA6]  }
0x28: {  	s2 =	sld [smem:$0x3FA7]  }
0x29: {  	s4 =	sld [smem:$0x3FA9]  }
0x2a: {  	p0 =	seq.s32 s5, $0x0;
	s5 =	sld [smem:$0x3FAA]  }
0x2b: {  	s6 =	sld [smem:$0x3FAB]  }
0x2c: {  	s7 =	sld [smem:$0x3FAC]  }
0x2d: {  	s3 =	simm.s32 $0x108;
	s8 =	sld [smem:$0x3FAD]  }
0x2e: {  	s3 =	simm.s32 @!p0 $0x1082;
	s9 =	sld [smem:$0x3FAE]  }
0x2f: {  	lr =	sadd.s32 s0, s3;
	s0 =	sld [smem:$0x3FA5]  }
0x30: {  	s3 =	sld [smem:$0x3FA8]  }
0x31: {  	[smem:$0x3FB1] =	sst s10  }
0x32: {  	s10 =	sld [smem:$0x3FAF];
	_ =	sdelay $0x3  }
0x33: {  	p0 =	seq.s32 s10, $0x1;
	s10 =	sld [smem:$0x3FB1];
	_ =	sdelay $0x3  }
0x34: {  	[smem:$0x3FB1] =	sst s10  }
0x35: {  	s10 =	sld [smem:$0x3FB0];
	_ =	sdelay $0x3  }
0x36: {  	p1 =	seq.s32 s10, $0x1;
	s10 =	sld [smem:$0x3FB1];
	_ =	sdelay $0x3  }
0x37: {  	[smem:$0x3FB1] =	sst s10  }
0x38: {  	s10 =	sld [smem:$0x3FB2]  }
0x39: {  	_ = 	snop;
	(pc) =	sbr.ind lr, $3  }
0x3a: {  	_ = 	snop  }
0x3b: {  	_ = 	snop  }
0x3c: {  	p2 =	seq.s32 s10, $0x1;
	s10 =	sld [smem:$0x3FB1]  }
0x3d: {  	_ =	shalt  }
0x3e: {  	_ =	shalt  }
0x3f: {  	_ =	shalt  }
0x40: {  	_ =	shalt  }
0x41: {  	_ =	shalt  }
0x42: {  	_ =	shalt  }
0x43: {  	_ =	shalt  }
0x44: {  	_ =	shalt  }
0x45: {  	_ =	shalt  }
0x46: {  	_ =	shalt  }
0x47: {  	_ =	shalt  }
0x48: {  	_ =	shalt  }
0x49: {  	_ =	shalt  }
0x4a: {  	_ =	shalt  }
0x4b: {  	_ =	shalt  }
0x4c: {  	_ =	shalt  }
0x4d: {  	_ =	shalt  }
0x4e: {  	_ =	shalt  }
0x4f: {  	_ =	shalt  }
0x50: {  	_ =	shalt  }
0x51: {  	_ =	shalt  }
0x52: {  	_ =	shalt  }
0x53: {  	_ =	shalt  }
0x54: {  	_ =	shalt  }
0x55: {  	_ =	shalt  }
0x56: {  	_ =	shalt  }
0x57: {  	_ =	shalt  }
0x58: {  	_ =	shalt  }
0x59: {  	_ =	shalt  }
0x5a: {  	_ =	shalt  }
0x5b: {  	_ =	shalt  }
0x5c: {  	_ =	shalt  }
0x5d: {  	_ =	shalt  }
0x5e: {  	_ =	shalt  }
0x5f: {  	_ =	shalt  }
0x60: {  	_ =	shalt  }
0x61: {  	_ =	shalt  }
0x62: {  	_ =	shalt  }
0x63: {  	_ =	shalt  }
0x64: {  	_ =	shalt  }
0x65: {  	_ =	shalt  }
0x66: {  	_ =	shalt  }
0x67: {  	_ =	shalt  }
0x68: {  	_ =	shalt  }
0x69: {  	_ =	shalt  }
0x6a: {  	_ =	shalt  }
0x6b: {  	_ =	shalt  }
0x6c: {  	_ =	shalt  }
0x6d: {  	_ =	shalt  }
0x6e: {  	_ =	shalt  }
0x6f: {  	_ =	shalt  }
0x70: {  	_ =	shalt  }
0x71: {  	_ =	shalt  }
0x72: {  	_ =	shalt  }
0x73: {  	_ =	shalt  }
0x74: {  	_ =	shalt  }
0x75: {  	_ =	shalt  }
0x76: {  	_ =	shalt  }
0x77: {  	_ =	shalt  }
0x78: {  	_ =	shalt  }
0x79: {  	_ =	shalt  }
0x7a: {  	_ =	shalt  }
0x7b: {  	_ =	shalt  }
0x7c: {  	_ =	shalt  }
0x7d: {  	_ =	shalt  }
0x7e: {  	_ =	shalt  }
0x7f: {  	_ =	shalt  }
0x80: {  	_ =	shalt  }
0x81: {  	_ =	shalt  }
0x82: {  	_ =	shalt  }
0x83: {  	_ =	shalt  }
0x84: {  	_ =	shalt  }
0x85: {  	_ =	shalt  }
0x86: {  	_ =	shalt  }
0x87: {  	_ =	shalt  }
.Lfunc_end0:
.L_simem_size_0:
called_computation.1_lowered:
.L_overlay_start_0:
0x88: {  	s2 =	sld [smem:$0x3FD9]  }
0x89: {  	s3 =	sld [smem:$0x3FFE];
	_ =	sdelay $0x1  }
0x8a: {  	s1 =	srdreg.scid  }
0x8b: {  	s0 =	sand.u32 $0x1, s1  }
0x8c: {  	s16 =	sshll.u32 s0, $0xA;
	s2 =	sadd.s32 s3, s2  }
0x8d: {  	s2 =	sadd.s32 s2, s16  }
0x8e: {  	[smem:$0x3FBD] =	sst s2  }
0x8f: {  	_ = 	snop  }
0x90: {  	(tm) =	ssettm $0x1  }
0x91: {  	s17 =	sld [smem:$0x3FFB];
	_ =	sdelay $0x3  }
0x92: {  	_ =	strace s17  }
0x93: {  	s2 =	sld [smem:$0x3FFC];
	_ =	sdelay $0x3  }
0x94: {  	_ =	strace s2  }
0x95: {  	s2 =	sld [smem:$0x3FFD];
	_ =	sdelay $0x3  }
0x96: {  	_ =	strace s2  }
0x97: {  	_ =	strace $0x8FFFFFFF  }
0x98: {  	s18 =	sld [smem:$0x3FDB];
	_ =	sdelay $0x1  }
0x99: {  	s19 =	simm.s32 $_scs_section_size  }
0x9a: {  	s4 =	simm.s32 $_size__tile_overlayer_lowered;
	s5 =	simm.s32 $_tile_overlayer_lowered  }
0x9b: {  	s22 =	simm.s32 $0x1BFF;
	s21 =	sshll.u32 s5, $0x1;
	s2 =	sadd.s32 s19, s18  }
0x9c: {  	s6 =	simm.s32 $0x0;
	s20 =	sshll.u32 s4, $0x1;
	s4 =	sadd.s32 s21, s2  }
0x9d: {  	[timem:s6], [sflag:s22] =	dma.local [hbm:s4], s20  }
0x9e: {  	_ =	swait.ge [sflag:s22], s20  }
0x9f: {  	s3 =	ssub.s32 $0x0, s20;
	[sflag:s22] =	ssyncset.done $0x0  }
0xa0: {  	[sflag:s22] =	ssyncadd.s32 s3;
	_ =	sdelay $0x1  }
0xa1: {  	s23 =	simm.s32 $0x1B8B  }
0xa2: {  	_ =	swait.ge [sflag:s23], $0x1  }
0xa3: {  	[sflag:s23] =	ssyncset.done $0x0  }
0xa4: {  	s25 =	simm.s32 $0x1B8E;
	s24 =	sld [smem:$0x3FFE];
	[sflag:s23] =	ssyncadd.s32 $0xFFFFFFFF  }
0xa5: {  	s26 =	simm.s32 $execute0_lowered;
	[smem:$0x3FD2] =	sst s25  }
0xa6: {  	s4 =	sshll.u32 s26, $0x1;
	_ =	strace $0x80000049;
	[dreg:$0x1] =	wrdreg $0xFFFFFFFF  }
0xa7: {  	s28 =	simm.s32 $_size_execute0_lowered;
	s2 =	sadd.s32 s2, s4;
	[dreg:$0x0] =	wrdreg $0x0  }
0xa8: {  	s4 =	sshll.u32 s28, $0x1;
	[dreg:$0x2] =	wrdreg s2  }
0xa9: {  	[dreg:$0x3] =	wrdreg s4  }
0xaa: {  	[dreg:$0x4] =	wrdreg $0xC0  }
0xab: {  	_ =	task [dreg:s6], $0x5FFFF  }
0xac: {  	[dreg:$0x1] =	wrdreg $0xFFFFFFFF  }
0xad: {  	[dreg:$0x0] =	wrdreg $0x60  }
0xae: {  	[dreg:$0x2] =	wrdreg s24  }
0xaf: {  	[dreg:$0x3] =	wrdreg $0x9  }
0xb0: {  	_ =	task.clear_ibuf [dreg:s6], $0x4FFFF;
	_ =	strace $0x90000049  }
0xb1: {  	s29 =	simm.s32 $0x9;
	_ =	strace $0x8000004B  }
0xb2: {  	_ =	swait.ge [sflag:s29], $0x1  }
0xb3: {  	[sflag:s29] =	ssyncadd.s32 $0xFFFFFFFF  }
0xb4: {  	_ =	strace $0x9000004B  }
0xb5: {  	_ =	sfence  }
0xb6: {  	s30 =	sld [smem:$0x0];
	_ =	sdelay $0x2  }
0xb7: {  	s31 =	sshll.u32 s1, $0xD;
	s1 =	sshrl.u32 s1, $0x2  }
0xb8: {  	s3 =	sand.u32 $0x4000, s31;
	s1 =	sadd.s32 s1, s30  }
0xb9: {  	s0 =	sor.u32 s3, s0;
	s1 =	sshll.u32 s1, $0x11  }
0xba: {  	s0 =	sor.u32 s1, s0  }
0xbb: {  	s0 =	sadd.s32 $0x8F2B, s0  }
0xbc: {  	[sflag:s0] =	ssyncadd.remote.s32 $0x1  }
0xbd: {  	_ =	sfence.sel $0xFFFF  }
0xbe: {  	[dreg:$0x0] =	wrdreg $0xFFFFFFFF;
	(pc) =	sbr.abs _section_cstart, $3  }
0xbf: {  	[dreg:$0x1] =	wrdreg $0xFFFFFFFF  }
0xc0: {  	_ =	task.clear_ibuf [dreg:s6], $0x2FFFF;
	_ =	strace $0x9FFFFFFF  }
0xc1: {  	(tm) =	ssettm $0x7FFFFFFF  }
tec
execute0_lowered:
.L_overlay_start_1:
0x0: {  	(tag) =	ssettag $0x1  }
0x1: {  	s4 =	rddreg [dreg:$0x0]  }
0x2: {  	s0 =	rddreg [dreg:$0x1];
	s3 =	srdreg.scid  }
0x3: {  	s1 =	stileid.u32;
	s2 =	simm.s32 $0x0;
	s10 =	simm.s32 $0x3C00  }
0x4: {  	s11 =	simm.s32 $0x4400;
	s12 =	simm.s32 $0x4C00;
	s13 =	simm.s32 $0x5400  }
0x5: {  	s14 =	simm.s32 $0x5C00;
	s15 =	simm.s32 $0x6400;
	s16 =	simm.s32 $0x6C00  }
0x6: {  	s17 =	simm.s32 $0x1;
	s18 =	simm.s32 $0x0;
	s3 =	sand.u32 $0x1, s3  }
0x7: {  	s5 =	smul.u32 $0x68000, s1;
	[smem:$0x7FF] =	sst s2;
	s6 =	sshll.u32 s1, $0x1  }
0x8: {  	s7 =	smul.u32 $0x34000, s3;
	s6 =	sor.u32 s3, s6;
	s30 =	ssub.s32 $0x2, s3  }
0x9: {  	_ =	strace $0x8000004A;
	s6 =	smul.u32 $0x680, s6;
	s8 =	sshrl.u32 s30, $0x1  }
0xa: {  	s3 =	sadd.s32 $0x4F7600, s4;
	s5 =	sadd.s32 s7, s5;
	s31 =	ssub.s32 s30, s8  }
0xb: {  	s7 =	simm.s32 $0x2;
	s5 =	sshrl.u32 s5, $0x3;
	s6 =	sadd.s32 s6, s4  }
0xc: {  	s8 =	simm.s32 $0x80;
	s9 =	sadd.s32 s5, s4;
	s4 =	sadd.s32 $0x9ED000, s6  }
0xd: {  	s5 =	smax.u32 s31, $0x1;
	s6 =	sadd.s32 $0x1C00, s9;
	s9 =	simm.s32 $0x3400  }
.LBB2_1:
0xe: {  	[tilespmem:s2], [sflag:$0x2] =	stream.linear.gather [hbm4b:s4+s2], $0x3400, $0x38;
	[tilespmem:$0x7400] =	vst v63  }
0xf: {  	_ =	swait.ge [sflag:s7], $0x3400  }
0x10: {  	[sflag:s7] =	ssyncset.done $0x0  }
0x11: {  	s19 =	simm.s32 $0x0;
	[sflag:s7] =	ssyncadd.s32 $0xFFFFCC00  }
0x12: {  	[tilespmem:s9], [sflag:$0x1] =	stream.indirect.gather [hbm4b:s3+s8], $0x10, s19, s8, $0xb8;
	[tilespmem:$0x7400] =	vst v63  }
0x13: {  	s24 =	simm.s32 $0x80  }
0x14: {  	[tilespmem:s10], [sflag:$0x1] =	stream.indirect.gather [hbm4b:s3+s8], $0x10, s24, s8, $0xb8;
	[tilespmem:$0x7400] =	vst v63  }
0x15: {  	s25 =	simm.s32 $0x100  }
0x16: {  	[tilespmem:s11], [sflag:$0x1] =	stream.indirect.gather [hbm4b:s3+s8], $0x10, s25, s8, $0xb8;
	[tilespmem:$0x7400] =	vst v63  }
0x17: {  	s26 =	simm.s32 $0x180  }
0x18: {  	[tilespmem:s12], [sflag:$0x1] =	stream.indirect.gather [hbm4b:s3+s8], $0x10, s26, s8, $0xb8;
	[tilespmem:$0x7400] =	vst v63  }
0x19: {  	s28 =	simm.s32 $0x200  }
0x1a: {  	[tilespmem:s13], [sflag:$0x1] =	stream.indirect.gather [hbm4b:s3+s8], $0x10, s28, s8, $0xb8;
	[tilespmem:$0x7400] =	vst v63  }
0x1b: {  	s29 =	simm.s32 $0x280  }
0x1c: {  	[tilespmem:s14], [sflag:$0x1] =	stream.indirect.gather [hbm4b:s3+s8], $0x10, s29, s8, $0xb8;
	[tilespmem:$0x7400] =	vst v63  }
0x1d: {  	s30 =	simm.s32 $0x300  }
0x1e: {  	[tilespmem:s15], [sflag:$0x1] =	stream.indirect.gather [hbm4b:s3+s8], $0x10, s30, s8, $0xb8;
	[tilespmem:$0x7400] =	vst v63  }
0x1f: {  	s31 =	simm.s32 $0x380  }
0x20: {  	[tilespmem:s16], [sflag:$0x1] =	stream.indirect.gather [hbm4b:s3+s8], $0x10, s31, s8, $0xb8;
	[tilespmem:$0x7400] =	vst v63  }
0x21: {  	_ =	swait.ge [sflag:s17], $0x800  }
0x22: {  	[sflag:s17] =	ssyncset.done $0x0  }
0x23: {  	[sflag:s17] =	ssyncadd.s32 $0xFFFFF800  }
0x24: {  	_ =	swait.ge [sflag:s17], $0x800  }
0x25: {  	[sflag:s17] =	ssyncset.done $0x0  }
0x26: {  	[sflag:s17] =	ssyncadd.s32 $0xFFFFF800  }
0x27: {  	_ =	swait.ge [sflag:s17], $0x800  }
0x28: {  	[sflag:s17] =	ssyncset.done $0x0  }
0x29: {  	[sflag:s17] =	ssyncadd.s32 $0xFFFFF800  }
0x2a: {  	_ =	swait.ge [sflag:s17], $0x800  }
0x2b: {  	[sflag:s17] =	ssyncset.done $0x0  }
0x2c: {  	[sflag:s17] =	ssyncadd.s32 $0xFFFFF800  }
0x2d: {  	_ =	swait.ge [sflag:s17], $0x800  }
0x2e: {  	[sflag:s17] =	ssyncset.done $0x0  }
0x2f: {  	[sflag:s17] =	ssyncadd.s32 $0xFFFFF800  }
0x30: {  	_ =	swait.ge [sflag:s17], $0x800  }
0x31: {  	[sflag:s17] =	ssyncset.done $0x0  }
0x32: {  	[sflag:s17] =	ssyncadd.s32 $0xFFFFF800  }
0x33: {  	_ =	swait.ge [sflag:s17], $0x800  }
0x34: {  	[sflag:s17] =	ssyncset.done $0x0  }
0x35: {  	[sflag:s17] =	ssyncadd.s32 $0xFFFFF800  }
0x36: {  	_ =	swait.ge [sflag:s17], $0x800  }
0x37: {  	[sflag:s17] =	ssyncset.done $0x0  }
0x38: {  	[sflag:s17] =	ssyncadd.s32 $0xFFFFF800  }
0x39: {  	[hbm4b:s6+s2] =	stream.linear.scatter [tilespmem:s9], [sflag:$0x2], $0x4000, $0x38;
	[tilespmem:$0x7400] =	vst v63  }
0x3a: {  	s20 =	simm.s32 $0x1000;
	_ =	swait.ge [sflag:s7], $0x4000  }
0x3b: {  	s22 =	simm.s32 $0x2000;
	s19 =	sadd.s32 $0x800, s6;
	[sflag:s7] =	ssyncset.done $0x0  }
.LBB2_2:
0x3c: {  	s23 =	sshra.s32 s20, $0x2  }
0x3d: {  	[sflag:s7] =	ssyncadd.s32 $0xFFFFC000;
	s20 =	smov.u32 s22;
	s21 =	sadd.s32 $0x1000, s22  }
0x3e: {  	[tilespmem:s9], [sflag:$0x1] =	stream.indirect.gather [hbm4b:s3+s8], $0x10, s23, s8, $0xb8;
	[tilespmem:$0x7400] =	vst v63  }
0x3f: {  	p0 =	sne.s32 s22, $0xC000;
	s22 =	sadd.s32 $0x80, s23  }
0x40: {  	[tilespmem:s10], [sflag:$0x1] =	stream.indirect.gather [hbm4b:s3+s8], $0x10, s22, s8, $0xb8;
	[tilespmem:$0x7400] =	vst v63  }
0x41: {  	s22 =	sadd.s32 $0x100, s23  }
0x42: {  	[tilespmem:s11], [sflag:$0x1] =	stream.indirect.gather [hbm4b:s3+s8], $0x10, s22, s8, $0xb8;
	[tilespmem:$0x7400] =	vst v63  }
0x43: {  	s22 =	sadd.s32 $0x180, s23  }
0x44: {  	[tilespmem:s12], [sflag:$0x1] =	stream.indirect.gather [hbm4b:s3+s8], $0x10, s22, s8, $0xb8;
	[tilespmem:$0x7400] =	vst v63  }
0x45: {  	s22 =	sadd.s32 $0x200, s23  }
0x46: {  	[tilespmem:s13], [sflag:$0x1] =	stream.indirect.gather [hbm4b:s3+s8], $0x10, s22, s8, $0xb8;
	[tilespmem:$0x7400] =	vst v63  }
0x47: {  	s22 =	sadd.s32 $0x280, s23  }
0x48: {  	[tilespmem:s14], [sflag:$0x1] =	stream.indirect.gather [hbm4b:s3+s8], $0x10, s22, s8, $0xb8;
	[tilespmem:$0x7400] =	vst v63  }
0x49: {  	s22 =	sadd.s32 $0x300, s23  }
0x4a: {  	[tilespmem:s15], [sflag:$0x1] =	stream.indirect.gather [hbm4b:s3+s8], $0x10, s22, s8, $0xb8;
	[tilespmem:$0x7400] =	vst v63  }
0x4b: {  	s22 =	sadd.s32 $0x380, s23  }
0x4c: {  	[tilespmem:s16], [sflag:$0x1] =	stream.indirect.gather [hbm4b:s3+s8], $0x10, s22, s8, $0xb8;
	[tilespmem:$0x7400] =	vst v63  }
0x4d: {  	_ =	swait.ge [sflag:s17], $0x800  }
0x4e: {  	[sflag:s17] =	ssyncset.done $0x0  }
0x4f: {  	[sflag:s17] =	ssyncadd.s32 $0xFFFFF800  }
0x50: {  	_ =	swait.ge [sflag:s17], $0x800  }
0x51: {  	[sflag:s17] =	ssyncset.done $0x0  }
0x52: {  	[sflag:s17] =	ssyncadd.s32 $0xFFFFF800  }
0x53: {  	_ =	swait.ge [sflag:s17], $0x800  }
0x54: {  	[sflag:s17] =	ssyncset.done $0x0  }
0x55: {  	[sflag:s17] =	ssyncadd.s32 $0xFFFFF800  }
0x56: {  	_ =	swait.ge [sflag:s17], $0x800  }
0x57: {  	[sflag:s17] =	ssyncset.done $0x0  }
0x58: {  	[sflag:s17] =	ssyncadd.s32 $0xFFFFF800  }
0x59: {  	_ =	swait.ge [sflag:s17], $0x800  }
0x5a: {  	[sflag:s17] =	ssyncset.done $0x0  }
0x5b: {  	[sflag:s17] =	ssyncadd.s32 $0xFFFFF800  }
0x5c: {  	_ =	swait.ge [sflag:s17], $0x800  }
0x5d: {  	[sflag:s17] =	ssyncset.done $0x0  }
0x5e: {  	[sflag:s17] =	ssyncadd.s32 $0xFFFFF800  }
0x5f: {  	_ =	swait.ge [sflag:s17], $0x800  }
0x60: {  	[sflag:s17] =	ssyncset.done $0x0  }
0x61: {  	[sflag:s17] =	ssyncadd.s32 $0xFFFFF800  }
0x62: {  	_ =	swait.ge [sflag:s17], $0x800  }
.Ltmp0:
0x63: {  	[sflag:s17] =	ssyncset.done $0x0;
	(pc) =	sbr.rel @p0 .LBB2_2-.Ltmp0, $4  }
0x64: {  	[sflag:s17] =	ssyncadd.s32 $0xFFFFF800  }
0x65: {  	[hbm4b:s19+s2] =	stream.linear.scatter [tilespmem:s9], [sflag:$0x2], $0x4000, $0x38;
	[tilespmem:$0x7400] =	vst v63  }
0x66: {  	_ =	swait.ge [sflag:s7], $0x4000  }
0x67: {  	s22 =	smov.u32 s21;
	s19 =	sadd.s32 $0x800, s19;
	[sflag:s7] =	ssyncset.done $0x0  }
0x68: {  	s20 =	sshra.s32 s20, $0x2;
	[sflag:s7] =	ssyncadd.s32 $0xFFFFC000  }
0x69: {  	[tilespmem:s9], [sflag:$0x1] =	stream.indirect.gather [hbm4b:s3+s8], $0x10, s20, s8, $0xb8;
	[tilespmem:$0x7400] =	vst v63  }
0x6a: {  	s21 =	sadd.s32 $0x80, s20  }
0x6b: {  	[tilespmem:s10], [sflag:$0x1] =	stream.indirect.gather [hbm4b:s3+s8], $0x10, s21, s8, $0xb8;
	[tilespmem:$0x7400] =	vst v63  }
0x6c: {  	s26 =	sadd.s32 $0x100, s20  }
0x6d: {  	[tilespmem:s11], [sflag:$0x1] =	stream.indirect.gather [hbm4b:s3+s8], $0x10, s26, s8, $0xb8;
	[tilespmem:$0x7400] =	vst v63  }
0x6e: {  	s28 =	sadd.s32 $0x180, s20  }
0x6f: {  	[tilespmem:s12], [sflag:$0x1] =	stream.indirect.gather [hbm4b:s3+s8], $0x10, s28, s8, $0xb8;
	[tilespmem:$0x7400] =	vst v63  }
0x70: {  	s29 =	sadd.s32 $0x200, s20  }
0x71: {  	[tilespmem:s13], [sflag:$0x1] =	stream.indirect.gather [hbm4b:s3+s8], $0x10, s29, s8, $0xb8;
	[tilespmem:$0x7400] =	vst v63  }
0x72: {  	s30 =	sadd.s32 $0x280, s20  }
0x73: {  	[tilespmem:s14], [sflag:$0x1] =	stream.indirect.gather [hbm4b:s3+s8], $0x10, s30, s8, $0xb8;
	[tilespmem:$0x7400] =	vst v63  }
0x74: {  	s31 =	sadd.s32 $0x300, s20  }
0x75: {  	[tilespmem:s15], [sflag:$0x1] =	stream.indirect.gather [hbm4b:s3+s8], $0x10, s31, s8, $0xb8;
	[tilespmem:$0x7400] =	vst v63  }
0x76: {  	s20 =	sadd.s32 $0x380, s20  }
0x77: {  	[tilespmem:s16], [sflag:$0x1] =	stream.indirect.gather [hbm4b:s3+s8], $0x10, s20, s8, $0xb8;
	[tilespmem:$0x7400] =	vst v63  }
0x78: {  	_ =	swait.ge [sflag:s17], $0x800  }
0x79: {  	[sflag:s17] =	ssyncset.done $0x0  }
0x7a: {  	[sflag:s17] =	ssyncadd.s32 $0xFFFFF800  }
0x7b: {  	_ =	swait.ge [sflag:s17], $0x800  }
0x7c: {  	[sflag:s17] =	ssyncset.done $0x0  }
0x7d: {  	[sflag:s17] =	ssyncadd.s32 $0xFFFFF800  }
0x7e: {  	_ =	swait.ge [sflag:s17], $0x800  }
0x7f: {  	[sflag:s17] =	ssyncset.done $0x0  }
0x80: {  	[sflag:s17] =	ssyncadd.s32 $0xFFFFF800  }
0x81: {  	_ =	swait.ge [sflag:s17], $0x800  }
0x82: {  	[sflag:s17] =	ssyncset.done $0x0  }
0x83: {  	[sflag:s17] =	ssyncadd.s32 $0xFFFFF800  }
0x84: {  	_ =	swait.ge [sflag:s17], $0x800  }
0x85: {  	[sflag:s17] =	ssyncset.done $0x0  }
0x86: {  	[sflag:s17] =	ssyncadd.s32 $0xFFFFF800  }
0x87: {  	_ =	swait.ge [sflag:s17], $0x800  }
0x88: {  	[sflag:s17] =	ssyncset.done $0x0  }
0x89: {  	[sflag:s17] =	ssyncadd.s32 $0xFFFFF800  }
0x8a: {  	_ =	swait.ge [sflag:s17], $0x800  }
0x8b: {  	[sflag:s17] =	ssyncset.done $0x0  }
0x8c: {  	[sflag:s17] =	ssyncadd.s32 $0xFFFFF800  }
0x8d: {  	s18 =	sadd.s32 $0x1, s18;
	_ =	swait.ge [sflag:s17], $0x800  }
0x8e: {  	p0 =	sne.s32 s18, s5;
	[sflag:s17] =	ssyncset.done $0x0  }
.Ltmp1:
0x8f: {  	[sflag:s17] =	ssyncadd.s32 $0xFFFFF800;
	(pc) =	sbr.rel @p0 .LBB2_1-.Ltmp1, $4  }
0x90: {  	[hbm4b:s19+s2] =	stream.linear.scatter [tilespmem:s9], [sflag:$0x2], $0x4000, $0x38;
	[tilespmem:$0x7400] =	vst v63  }
0x91: {  	_ =	swait.ge [sflag:s7], $0x4000  }
0x92: {  	[sflag:s7] =	ssyncset.done $0x0  }
0x93: {  	[sflag:s7] =	ssyncadd.s32 $0xFFFFC000  }
0x94: {  	_ =	sfence.sel $0x180000  }
0x95: {  	[bflag:$0x0] =	sbarrier.arrive $0xFFFF  }
0x96: {  	p0 =	sne.s32 s1, $0x0;
	_ =	strace $0x9000004A  }
0x97: {  	s0 =	sadd.s32 @!p0 $0x100000, s0;
	[bflag:$0x2] =	sbarrier.arrive $0xFFFF  }
0x98: {  	[sflag:s0] =	ssyncadd.tile.s32 @!p0 $0x1;
	_ =	shalt  }
.Lfunc_end2:
_tile_overlayer_lowered:
.L_overlay_start_2:
0x99: {  	(tag) =	ssettag $0x2  }
0x9a: {  	s0 =	rddreg [dreg:$0x0];
	s2 =	stileid.u32  }
0x9b: {  	s1 =	rddreg [dreg:$0x1];
	p0 =	sne.s32 s2, $0x0  }
0x9c: {  	s3 =	rddreg [dreg:$0x2];
	[bflag:$0x3] =	sbarrier.arrive $0xFFFF;
	s2 =	simm.s32 @!p0 $0x1C02  }
0x9d: {  	[timem:s3], [sflag:s2] =	dma.local @!p0 [hbm:s0], s1  }
0x9e: {  	s0 =	simm.s32 @!p0 $0x2  }
0x9f: {  	_ =	swait.ge @!p0 [sflag:s0], s1  }
0xa0: {  	s1 =	ssub.s32 @!p0 $0x0, s1;
	[sflag:s0] =	ssyncset.done @!p0 $0x0  }
0xa1: {  	[sflag:s0] =	ssyncadd.s32 @!p0 s1  }
0xa2: {  	[bflag:$0x3] =	sbarrier.arrive $0xFFFF  }
0xa3: {  	_ =	shalt  }

</sc_bundles>
